<compile_context>
chip_gen: v7x
topology: tpu7x:2x2x1
jax: 0.10.2.dev20260603
libtpu: 0.0.44.dev20260713+nightly
codegen_flags: <defaults>
</compile_context>

<pallas_src>
import functools

import jax
import jax.numpy as jnp
from jax import lax
from jax.experimental import pallas as pl
from jax.experimental.pallas import tpu as pltpu
from jax.experimental.pallas import tpu_sc as plsc

_D = 128


def _pick_chunk(per_w: int) -> int:
    for b in (128, 112, 96, 80, 64, 48, 32, 16):
        if per_w % b == 0:
            return b
    raise ValueError(f"no chunk size divides {per_w}")


@functools.lru_cache(maxsize=None)
def _build_score_kernel(n_nodes: int, d: int, e_pos: int, e_neg: int):
    assert d == _D
    info = plsc.get_sparse_core_info()
    nc, ns = info.num_cores, info.num_subcores
    nw = nc * ns
    e_tot = e_pos + e_neg
    assert e_pos % nw == 0 and e_neg % nw == 0
    pw_pos, pw_neg = e_pos // nw, e_neg // nw
    per_w = pw_pos + pw_neg
    b = _pick_chunk(per_w)
    assert pw_pos % b == 0
    n_chunks = per_w // b
    mesh = plsc.VectorSubcoreMesh(core_axis_name="c", subcore_axis_name="s")

    @functools.partial(
        pl.kernel,
        mesh=mesh,
        compiler_params=pltpu.CompilerParams(
            needs_layout_passes=False, use_tc_tiling_on_sc=False),
        out_type=jax.ShapeDtypeStruct((e_tot,), jnp.float32),
        scratch_types=[
            pltpu.VMEM((per_w,), jnp.int32),
            pltpu.VMEM((per_w,), jnp.int32),
            pltpu.VMEM((b, d // 2), jnp.int32),
            pltpu.VMEM((b, d // 2), jnp.int32),
            pltpu.VMEM((b, d // 2), jnp.int32),
            pltpu.VMEM((b, d // 2), jnp.int32),
            pltpu.VMEM((per_w,), jnp.float32),
            pltpu.SemaphoreType.DMA,
            pltpu.SemaphoreType.DMA,
        ],
    )
    def score_kernel(table_hbm, pos_hbm, neg_hbm, out_hbm,
                     sidx_v, didx_v, srows0_v, drows0_v, srows1_v, drows1_v,
                     scores_v, sem0, sem1):
        wid = lax.axis_index("s") * nc + lax.axis_index("c")
        lane = lax.iota(jnp.int32, 16)
        lane0 = lane == 0
        slots = ((srows0_v, drows0_v, sem0), (srows1_v, drows1_v, sem1))

        pltpu.sync_copy(pos_hbm.at[0, pl.ds(wid * pw_pos, pw_pos)],
                        sidx_v.at[pl.ds(0, pw_pos)])
        pltpu.sync_copy(pos_hbm.at[1, pl.ds(wid * pw_pos, pw_pos)],
                        didx_v.at[pl.ds(0, pw_pos)])
        pltpu.sync_copy(neg_hbm.at[0, pl.ds(wid * pw_neg, pw_neg)],
                        sidx_v.at[pl.ds(pw_pos, pw_neg)])
        pltpu.sync_copy(neg_hbm.at[1, pl.ds(wid * pw_neg, pw_neg)],
                        didx_v.at[pl.ds(pw_pos, pw_neg)])

        def fetch(chunk, slot):
            srows_v, drows_v, sem = slots[slot]
            pltpu.async_copy(
                table_hbm.at[sidx_v.at[pl.ds(chunk * b, b)]], srows_v, sem)
            pltpu.async_copy(
                table_hbm.at[didx_v.at[pl.ds(chunk * b, b)]], drows_v, sem)

        def consume(chunk, slot):
            srows_v, drows_v, sem = slots[slot]
            pltpu.make_async_copy(
                table_hbm.at[sidx_v.at[pl.ds(chunk * b, b)]], srows_v, sem).wait()
            pltpu.make_async_copy(
                table_hbm.at[didx_v.at[pl.ds(chunk * b, b)]], drows_v, sem).wait()

            @plsc.parallel_loop(0, b // 4, 1, unroll=2)
            def _(s):
                for j in range(4):
                    e = s * 4 + j
                    acc = jnp.zeros((32,), jnp.bfloat16)
                    for k in range(d // 32):
                        sv = plsc.bitcast(srows_v[e, pl.ds(k * 16, 16)],
                                          jnp.bfloat16)
                        dv = plsc.bitcast(drows_v[e, pl.ds(k * 16, 16)],
                                          jnp.bfloat16)
                        acc = acc + sv * dv
                    aw = plsc.bitcast(acc, jnp.int32)
                    lo = lax.bitcast_convert_type(
                        lax.shift_left(aw, jnp.full((16,), 16, jnp.int32)),
                        jnp.float32)
                    hi = lax.bitcast_convert_type(
                        lax.bitwise_and(
                            aw, jnp.full((16,), -65536, jnp.int32)),
                        jnp.float32)
                    score = jnp.sum(lo + hi)
                    plsc.store_scatter(
                        scores_v,
                        [jnp.full((16,), chunk * b + e, jnp.int32)],
                        jnp.full((16,), score, jnp.float32),
                        mask=lane0)

        fetch(0, 0)

        def pair_body(t, carry):
            fetch(2 * t + 1, 1)
            consume(2 * t, 0)

            @pl.when(t + 1 < n_chunks // 2)
            def _():
                fetch(2 * t + 2, 0)

            consume(2 * t + 1, 1)
            return carry

        assert n_chunks % 2 == 0
        lax.fori_loop(0, n_chunks // 2, pair_body, 0)
        pltpu.sync_copy(scores_v.at[pl.ds(0, pw_pos)],
                        out_hbm.at[pl.ds(wid * pw_pos, pw_pos)])
        pltpu.sync_copy(scores_v.at[pl.ds(pw_pos, pw_neg)],
                        out_hbm.at[pl.ds(e_pos + wid * pw_neg, pw_neg)])

    return score_kernel


def _ce_loss_body(e_pos: int, e_tot: int, scores_ref, out_ref):
    s = scores_ref[...]
    rows = lax.broadcasted_iota(jnp.int32, s.shape, 0)
    label = (rows < e_pos // s.shape[1]).astype(jnp.float32)
    shifted = s - s
    logp = shifted - jnp.log(jnp.exp(shifted))
    out_ref[0, 0] = -jnp.sum(label * logp) / e_tot


@jax.jit
def kernel(block_outputs, pos_edge_index, neg_edge_index):
    h = block_outputs
    n_nodes, d = h.shape
    e_pos = pos_edge_index.shape[1]
    e_neg = neg_edge_index.shape[1]
    e_tot = e_pos + e_neg

    h_words = lax.bitcast_convert_type(
        h.astype(jnp.bfloat16).reshape(n_nodes, d // 2, 2), jnp.int32)
    scores = _build_score_kernel(n_nodes, d, e_pos, e_neg)(
        h_words, pos_edge_index.astype(jnp.int32),
        neg_edge_index.astype(jnp.int32))

    assert e_pos % _D == 0 and e_tot % _D == 0
    scores2d = scores.reshape(e_tot // _D, _D)
    loss = pl.pallas_call(
        functools.partial(_ce_loss_body, e_pos, e_tot),
        out_shape=jax.ShapeDtypeStruct((1, 1), jnp.float32),
        out_specs=pl.BlockSpec(memory_space=pltpu.SMEM),
    )(scores2d)
    return loss[0, 0]

# --- scband reference (transcript-rebuilt; emitter-appended) ---
"""Pipeline reference for scband-cross-entropy-loss-13013750907168 (READ-ONLY COPY).

The authoritative reference and input builder live on the scoring server;
editing this copy changes nothing except your own understanding.
"""

import jax, jax.numpy as jnp
import numpy as np


def setup_inputs(seed: int = 0) -> dict:
    key = jax.random.key(seed)
    k1, k2, k3 = jax.random.split(key, 3)
    n_nodes = 10000
    d_feat = 128
    e = 320000
    block_outputs = jax.random.normal(k1, (n_nodes, d_feat), dtype=jnp.float32)
    pos_edge_index = jax.random.randint(k2, (2, e), 0, n_nodes, dtype=jnp.int64)
    neg_edge_index = jax.random.randint(k3, (2, e), 0, n_nodes, dtype=jnp.int64)
    return {"block_outputs": block_outputs, "pos_edge_index": pos_edge_index, "neg_edge_index": neg_edge_index}


def _edge_dot(h, edge_index):
    # DGL fn.u_dot_v('h','h','score'): per-edge dot product, shape [E, 1]
    src = jnp.take(h, edge_index[0], axis=0)
    dst = jnp.take(h, edge_index[1], axis=0)
    return jnp.sum(src * dst, axis=-1, keepdims=True)


def reference(block_outputs, pos_edge_index, neg_edge_index):
    h = block_outputs
    pos_score = _edge_dot(h, pos_edge_index)  # [E_pos, 1]
    neg_score = _edge_dot(h, neg_edge_index)  # [E_neg, 1]
    score = jnp.concatenate([pos_score, neg_score], axis=0)  # [E_total, 1]
    label = jnp.concatenate([jnp.ones_like(pos_score), jnp.zeros_like(neg_score)], axis=0)  # float probs, [E_total, 1]
    # torch F.cross_entropy with float (probability) targets over class dim C=1:
    # loss_i = -sum_c target[i,c] * log_softmax(input[i])[c]; mean reduction
    logp = jax.nn.log_softmax(score, axis=1)
    loss = -jnp.mean(jnp.sum(label * logp, axis=1))
    return loss

if __name__ == "__main__":
    import jax
    _d = setup_inputs()
    print(jax.jit(kernel)(*tuple(_d.values())))

</pallas_src>

<mosaic_0001>
#map = affine_map<(d0, d1) -> (0, 0)>
#map1 = affine_map<(d0, d1) -> (0)>
module attributes {stable_mosaic.version = 14 : i64} {
  func.func @score_kernel(%arg0: i32, %arg1: i32, %arg2: memref<10000x64xi32, #tpu.memory_space<hbm>>, %arg3: memref<2x320000xi32, #tpu.memory_space<hbm>>, %arg4: memref<2x320000xi32, #tpu.memory_space<hbm>>, %arg5: memref<640000xf32, #tpu.memory_space<hbm>>, %arg6: memref<20000xi32, #tpu.memory_space<vmem>>, %arg7: memref<20000xi32, #tpu.memory_space<vmem>>, %arg8: memref<80x64xi32, #tpu.memory_space<vmem>>, %arg9: memref<80x64xi32, #tpu.memory_space<vmem>>, %arg10: memref<80x64xi32, #tpu.memory_space<vmem>>, %arg11: memref<80x64xi32, #tpu.memory_space<vmem>>, %arg12: memref<20000xf32, #tpu.memory_space<vmem>>, %arg13: memref<!tpu.dma_semaphore, #tpu.memory_space<semaphore_mem>>, %arg14: memref<!tpu.dma_semaphore, #tpu.memory_space<semaphore_mem>>) attributes {dimension_semantics = [#tpu.dimension_semantics<core_parallel>, #tpu.dimension_semantics<subcore_parallel>], iteration_bounds = array<i64: 2, 16>, scalar_prefetch = 0 : i64, scratch_operands = 9 : i64, tpu.core_type = #tpu.core_type<sc_vector_subcore>, window_params = [{transform_indices = #map}, {transform_indices = #map}, {transform_indices = #map}, {transform_indices = #map1}]} {
    %mul3A = arith.constant 2 : i32
    %mul3A_0 = arith.muli %arg1, %mul3A : i32
    %add3A = arith.addi %mul3A_0, %arg0 : i32
    %iota3A = tpu.iota {dimensions = array<i32: 0>} : vector<16xi32>
    %eq3A = arith.constant 0 : i32
    %eq3A_1 = vector.broadcast %eq3A : i32 to vector<16xi32>
    %eq3A_2 = arith.cmpi eq, %iota3A, %eq3A_1 : vector<16xi32>
    %mul3A_3 = arith.constant 10000 : i32
    %mul3A_4 = arith.muli %add3A, %mul3A_3 : i32
    %run_scoped3A = arith.constant 0 : i32
    "tpu.region"() ({
      %run_scoped3A_34 = tpu.sem_alloc : memref<!tpu.dma_semaphore, #tpu.memory_space<semaphore_mem>>
      %dma_start3A_35 = arith.constant 0 : i32
      %dma_start3A_36 = tpu.memref_slice %arg6[%dma_start3A_35] : memref<20000xi32, #tpu.memory_space<vmem>> -> memref<10000xi32, #tpu.memory_space<vmem>>
      %dma_start3A_37 = tpu.memref_slice %arg3[%run_scoped3A, %mul3A_4] : memref<2x320000xi32, #tpu.memory_space<hbm>> -> memref<1x10000xi32, #tpu.memory_space<hbm>>
      %dma_start3A_38 = tpu.memref_squeeze %dma_start3A_37 : memref<1x10000xi32, #tpu.memory_space<hbm>> -> memref<10000xi32, #tpu.memory_space<hbm>>
      %dma_start3A_39 = arith.constant 0 : i32
      %dma_start3A_40 = tpu.memref_slice %arg6[%dma_start3A_39] : memref<20000xi32, #tpu.memory_space<vmem>> -> memref<10000xi32, #tpu.memory_space<vmem>>
      %dma_start3A_41 = tpu.memref_slice %arg3[%run_scoped3A, %mul3A_4] : memref<2x320000xi32, #tpu.memory_space<hbm>> -> memref<1x10000xi32, #tpu.memory_space<hbm>>
      %dma_start3A_42 = tpu.memref_squeeze %dma_start3A_41 : memref<1x10000xi32, #tpu.memory_space<hbm>> -> memref<10000xi32, #tpu.memory_space<hbm>>
      tpu.enqueue_dma source(%dma_start3A_42 : memref<10000xi32, #tpu.memory_space<hbm>>) target(%dma_start3A_40 : memref<10000xi32, #tpu.memory_space<vmem>>) target_semaphore(%run_scoped3A_34 : memref<!tpu.dma_semaphore, #tpu.memory_space<semaphore_mem>>)
      %dma_wait3A = arith.constant 0 : i32
      %dma_wait3A_43 = tpu.memref_slice %arg6[%dma_wait3A] : memref<20000xi32, #tpu.memory_space<vmem>> -> memref<10000xi32, #tpu.memory_space<vmem>>
      %dma_wait3A_44 = tpu.memref_slice %arg3[%run_scoped3A, %mul3A_4] : memref<2x320000xi32, #tpu.memory_space<hbm>> -> memref<1x10000xi32, #tpu.memory_space<hbm>>
      %dma_wait3A_45 = tpu.memref_squeeze %dma_wait3A_44 : memref<1x10000xi32, #tpu.memory_space<hbm>> -> memref<10000xi32, #tpu.memory_space<hbm>>
      %dma_wait3A_46 = arith.constant 0 : i32
      %dma_wait3A_47 = tpu.memref_slice %arg6[%dma_wait3A_46] : memref<20000xi32, #tpu.memory_space<vmem>> -> memref<10000xi32, #tpu.memory_space<vmem>>
      %dma_wait3A_48 = tpu.memref_slice %arg3[%run_scoped3A, %mul3A_4] : memref<2x320000xi32, #tpu.memory_space<hbm>> -> memref<1x10000xi32, #tpu.memory_space<hbm>>
      %dma_wait3A_49 = tpu.memref_squeeze %dma_wait3A_48 : memref<1x10000xi32, #tpu.memory_space<hbm>> -> memref<10000xi32, #tpu.memory_space<hbm>>
      tpu.wait_dma2 semaphore(%run_scoped3A_34 : memref<!tpu.dma_semaphore, #tpu.memory_space<semaphore_mem>>) src(%dma_wait3A_49 : memref<10000xi32, #tpu.memory_space<hbm>>) dst(%dma_wait3A_47 : memref<10000xi32, #tpu.memory_space<vmem>>)
      tpu.yield
    }) : () -> ()
    %mul3A_5 = arith.constant 10000 : i32
    %mul3A_6 = arith.muli %add3A, %mul3A_5 : i32
    %run_scoped3A_7 = arith.constant 1 : i32
    "tpu.region"() ({
      %run_scoped3A_34 = tpu.sem_alloc : memref<!tpu.dma_semaphore, #tpu.memory_space<semaphore_mem>>
      %dma_start3A_35 = arith.constant 0 : i32
      %dma_start3A_36 = tpu.memref_slice %arg7[%dma_start3A_35] : memref<20000xi32, #tpu.memory_space<vmem>> -> memref<10000xi32, #tpu.memory_space<vmem>>
      %dma_start3A_37 = tpu.memref_slice %arg3[%run_scoped3A_7, %mul3A_6] : memref<2x320000xi32, #tpu.memory_space<hbm>> -> memref<1x10000xi32, #tpu.memory_space<hbm>>
      %dma_start3A_38 = tpu.memref_squeeze %dma_start3A_37 : memref<1x10000xi32, #tpu.memory_space<hbm>> -> memref<10000xi32, #tpu.memory_space<hbm>>
      %dma_start3A_39 = arith.constant 0 : i32
      %dma_start3A_40 = tpu.memref_slice %arg7[%dma_start3A_39] : memref<20000xi32, #tpu.memory_space<vmem>> -> memref<10000xi32, #tpu.memory_space<vmem>>
      %dma_start3A_41 = tpu.memref_slice %arg3[%run_scoped3A_7, %mul3A_6] : memref<2x320000xi32, #tpu.memory_space<hbm>> -> memref<1x10000xi32, #tpu.memory_space<hbm>>
      %dma_start3A_42 = tpu.memref_squeeze %dma_start3A_41 : memref<1x10000xi32, #tpu.memory_space<hbm>> -> memref<10000xi32, #tpu.memory_space<hbm>>
      tpu.enqueue_dma source(%dma_start3A_42 : memref<10000xi32, #tpu.memory_space<hbm>>) target(%dma_start3A_40 : memref<10000xi32, #tpu.memory_space<vmem>>) target_semaphore(%run_scoped3A_34 : memref<!tpu.dma_semaphore, #tpu.memory_space<semaphore_mem>>)
      %dma_wait3A = arith.constant 0 : i32
      %dma_wait3A_43 = tpu.memref_slice %arg7[%dma_wait3A] : memref<20000xi32, #tpu.memory_space<vmem>> -> memref<10000xi32, #tpu.memory_space<vmem>>
      %dma_wait3A_44 = tpu.memref_slice %arg3[%run_scoped3A_7, %mul3A_6] : memref<2x320000xi32, #tpu.memory_space<hbm>> -> memref<1x10000xi32, #tpu.memory_space<hbm>>
      %dma_wait3A_45 = tpu.memref_squeeze %dma_wait3A_44 : memref<1x10000xi32, #tpu.memory_space<hbm>> -> memref<10000xi32, #tpu.memory_space<hbm>>
      %dma_wait3A_46 = arith.constant 0 : i32
      %dma_wait3A_47 = tpu.memref_slice %arg7[%dma_wait3A_46] : memref<20000xi32, #tpu.memory_space<vmem>> -> memref<10000xi32, #tpu.memory_space<vmem>>
      %dma_wait3A_48 = tpu.memref_slice %arg3[%run_scoped3A_7, %mul3A_6] : memref<2x320000xi32, #tpu.memory_space<hbm>> -> memref<1x10000xi32, #tpu.memory_space<hbm>>
      %dma_wait3A_49 = tpu.memref_squeeze %dma_wait3A_48 : memref<1x10000xi32, #tpu.memory_space<hbm>> -> memref<10000xi32, #tpu.memory_space<hbm>>
      tpu.wait_dma2 semaphore(%run_scoped3A_34 : memref<!tpu.dma_semaphore, #tpu.memory_space<semaphore_mem>>) src(%dma_wait3A_49 : memref<10000xi32, #tpu.memory_space<hbm>>) dst(%dma_wait3A_47 : memref<10000xi32, #tpu.memory_space<vmem>>)
      tpu.yield
    }) : () -> ()
    %mul3A_8 = arith.constant 10000 : i32
    %mul3A_9 = arith.muli %add3A, %mul3A_8 : i32
    %run_scoped3A_10 = arith.constant 0 : i32
    "tpu.region"() ({
      %run_scoped3A_34 = tpu.sem_alloc : memref<!tpu.dma_semaphore, #tpu.memory_space<semaphore_mem>>
      %dma_start3A_35 = arith.constant 10000 : i32
      %dma_start3A_36 = tpu.memref_slice %arg6[%dma_start3A_35] : memref<20000xi32, #tpu.memory_space<vmem>> -> memref<10000xi32, #tpu.memory_space<vmem>>
      %dma_start3A_37 = tpu.memref_slice %arg4[%run_scoped3A_10, %mul3A_9] : memref<2x320000xi32, #tpu.memory_space<hbm>> -> memref<1x10000xi32, #tpu.memory_space<hbm>>
      %dma_start3A_38 = tpu.memref_squeeze %dma_start3A_37 : memref<1x10000xi32, #tpu.memory_space<hbm>> -> memref<10000xi32, #tpu.memory_space<hbm>>
      %dma_start3A_39 = arith.constant 10000 : i32
      %dma_start3A_40 = tpu.memref_slice %arg6[%dma_start3A_39] : memref<20000xi32, #tpu.memory_space<vmem>> -> memref<10000xi32, #tpu.memory_space<vmem>>
      %dma_start3A_41 = tpu.memref_slice %arg4[%run_scoped3A_10, %mul3A_9] : memref<2x320000xi32, #tpu.memory_space<hbm>> -> memref<1x10000xi32, #tpu.memory_space<hbm>>
      %dma_start3A_42 = tpu.memref_squeeze %dma_start3A_41 : memref<1x10000xi32, #tpu.memory_space<hbm>> -> memref<10000xi32, #tpu.memory_space<hbm>>
      tpu.enqueue_dma source(%dma_start3A_42 : memref<10000xi32, #tpu.memory_space<hbm>>) target(%dma_start3A_40 : memref<10000xi32, #tpu.memory_space<vmem>>) target_semaphore(%run_scoped3A_34 : memref<!tpu.dma_semaphore, #tpu.memory_space<semaphore_mem>>)
      %dma_wait3A = arith.constant 10000 : i32
      %dma_wait3A_43 = tpu.memref_slice %arg6[%dma_wait3A] : memref<20000xi32, #tpu.memory_space<vmem>> -> memref<10000xi32, #tpu.memory_space<vmem>>
      %dma_wait3A_44 = tpu.memref_slice %arg4[%run_scoped3A_10, %mul3A_9] : memref<2x320000xi32, #tpu.memory_space<hbm>> -> memref<1x10000xi32, #tpu.memory_space<hbm>>
      %dma_wait3A_45 = tpu.memref_squeeze %dma_wait3A_44 : memref<1x10000xi32, #tpu.memory_space<hbm>> -> memref<10000xi32, #tpu.memory_space<hbm>>
      %dma_wait3A_46 = arith.constant 10000 : i32
      %dma_wait3A_47 = tpu.memref_slice %arg6[%dma_wait3A_46] : memref<20000xi32, #tpu.memory_space<vmem>> -> memref<10000xi32, #tpu.memory_space<vmem>>
      %dma_wait3A_48 = tpu.memref_slice %arg4[%run_scoped3A_10, %mul3A_9] : memref<2x320000xi32, #tpu.memory_space<hbm>> -> memref<1x10000xi32, #tpu.memory_space<hbm>>
      %dma_wait3A_49 = tpu.memref_squeeze %dma_wait3A_48 : memref<1x10000xi32, #tpu.memory_space<hbm>> -> memref<10000xi32, #tpu.memory_space<hbm>>
      tpu.wait_dma2 semaphore(%run_scoped3A_34 : memref<!tpu.dma_semaphore, #tpu.memory_space<semaphore_mem>>) src(%dma_wait3A_49 : memref<10000xi32, #tpu.memory_space<hbm>>) dst(%dma_wait3A_47 : memref<10000xi32, #tpu.memory_space<vmem>>)
      tpu.yield
    }) : () -> ()
    %mul3A_11 = arith.constant 10000 : i32
    %mul3A_12 = arith.muli %add3A, %mul3A_11 : i32
    %run_scoped3A_13 = arith.constant 1 : i32
    "tpu.region"() ({
      %run_scoped3A_34 = tpu.sem_alloc : memref<!tpu.dma_semaphore, #tpu.memory_space<semaphore_mem>>
      %dma_start3A_35 = arith.constant 10000 : i32
      %dma_start3A_36 = tpu.memref_slice %arg7[%dma_start3A_35] : memref<20000xi32, #tpu.memory_space<vmem>> -> memref<10000xi32, #tpu.memory_space<vmem>>
      %dma_start3A_37 = tpu.memref_slice %arg4[%run_scoped3A_13, %mul3A_12] : memref<2x320000xi32, #tpu.memory_space<hbm>> -> memref<1x10000xi32, #tpu.memory_space<hbm>>
      %dma_start3A_38 = tpu.memref_squeeze %dma_start3A_37 : memref<1x10000xi32, #tpu.memory_space<hbm>> -> memref<10000xi32, #tpu.memory_space<hbm>>
      %dma_start3A_39 = arith.constant 10000 : i32
      %dma_start3A_40 = tpu.memref_slice %arg7[%dma_start3A_39] : memref<20000xi32, #tpu.memory_space<vmem>> -> memref<10000xi32, #tpu.memory_space<vmem>>
      %dma_start3A_41 = tpu.memref_slice %arg4[%run_scoped3A_13, %mul3A_12] : memref<2x320000xi32, #tpu.memory_space<hbm>> -> memref<1x10000xi32, #tpu.memory_space<hbm>>
      %dma_start3A_42 = tpu.memref_squeeze %dma_start3A_41 : memref<1x10000xi32, #tpu.memory_space<hbm>> -> memref<10000xi32, #tpu.memory_space<hbm>>
      tpu.enqueue_dma source(%dma_start3A_42 : memref<10000xi32, #tpu.memory_space<hbm>>) target(%dma_start3A_40 : memref<10000xi32, #tpu.memory_space<vmem>>) target_semaphore(%run_scoped3A_34 : memref<!tpu.dma_semaphore, #tpu.memory_space<semaphore_mem>>)
      %dma_wait3A = arith.constant 10000 : i32
      %dma_wait3A_43 = tpu.memref_slice %arg7[%dma_wait3A] : memref<20000xi32, #tpu.memory_space<vmem>> -> memref<10000xi32, #tpu.memory_space<vmem>>
      %dma_wait3A_44 = tpu.memref_slice %arg4[%run_scoped3A_13, %mul3A_12] : memref<2x320000xi32, #tpu.memory_space<hbm>> -> memref<1x10000xi32, #tpu.memory_space<hbm>>
      %dma_wait3A_45 = tpu.memref_squeeze %dma_wait3A_44 : memref<1x10000xi32, #tpu.memory_space<hbm>> -> memref<10000xi32, #tpu.memory_space<hbm>>
      %dma_wait3A_46 = arith.constant 10000 : i32
      %dma_wait3A_47 = tpu.memref_slice %arg7[%dma_wait3A_46] : memref<20000xi32, #tpu.memory_space<vmem>> -> memref<10000xi32, #tpu.memory_space<vmem>>
      %dma_wait3A_48 = tpu.memref_slice %arg4[%run_scoped3A_13, %mul3A_12] : memref<2x320000xi32, #tpu.memory_space<hbm>> -> memref<1x10000xi32, #tpu.memory_space<hbm>>
      %dma_wait3A_49 = tpu.memref_squeeze %dma_wait3A_48 : memref<1x10000xi32, #tpu.memory_space<hbm>> -> memref<10000xi32, #tpu.memory_space<hbm>>
      tpu.wait_dma2 semaphore(%run_scoped3A_34 : memref<!tpu.dma_semaphore, #tpu.memory_space<semaphore_mem>>) src(%dma_wait3A_49 : memref<10000xi32, #tpu.memory_space<hbm>>) dst(%dma_wait3A_47 : memref<10000xi32, #tpu.memory_space<vmem>>)
      tpu.yield
    }) : () -> ()
    %dma_start3A = arith.constant 0 : i32
    %dma_start3A_14 = tpu.memref_slice %arg6[%dma_start3A] : memref<20000xi32, #tpu.memory_space<vmem>> -> memref<80xi32, #tpu.memory_space<vmem>>
    %dma_start3A_15 = arith.constant 0 : i32
    %dma_start3A_16 = arith.constant 0 : i32
    %dma_start3A_17 = tpu.memref_slice %arg2[%dma_start3A_15, %dma_start3A_16] : memref<10000x64xi32, #tpu.memory_space<hbm>> -> memref<10000x64xi32, #tpu.memory_space<hbm>>
    tpu.enqueue_indirect_dma source(%dma_start3A_17 : memref<10000x64xi32, #tpu.memory_space<hbm>>) target(%arg8 : memref<80x64xi32, #tpu.memory_space<vmem>>) offsets(%dma_start3A_14 : memref<80xi32, #tpu.memory_space<vmem>>) semaphore(%arg13 : memref<!tpu.dma_semaphore, #tpu.memory_space<semaphore_mem>>)
    %dma_start3A_18 = arith.constant 0 : i32
    %dma_start3A_19 = tpu.memref_slice %arg7[%dma_start3A_18] : memref<20000xi32, #tpu.memory_space<vmem>> -> memref<80xi32, #tpu.memory_space<vmem>>
    %dma_start3A_20 = arith.constant 0 : i32
    %dma_start3A_21 = arith.constant 0 : i32
    %dma_start3A_22 = tpu.memref_slice %arg2[%dma_start3A_20, %dma_start3A_21] : memref<10000x64xi32, #tpu.memory_space<hbm>> -> memref<10000x64xi32, #tpu.memory_space<hbm>>
    tpu.enqueue_indirect_dma source(%dma_start3A_22 : memref<10000x64xi32, #tpu.memory_space<hbm>>) target(%arg9 : memref<80x64xi32, #tpu.memory_space<vmem>>) offsets(%dma_start3A_19 : memref<80xi32, #tpu.memory_space<vmem>>) semaphore(%arg13 : memref<!tpu.dma_semaphore, #tpu.memory_space<semaphore_mem>>)
    %scan3A = arith.constant 0 : i32
    %scan3A_23 = arith.constant 0 : i32
    %scan3A_24 = arith.constant 125 : i32
    %scan3A_25 = arith.addi %scan3A_23, %scan3A_24 : i32
    %scan3A_26 = arith.constant 1 : i32
    scf.for %scan3A_34 = %scan3A_23 to %scan3A_25 step %scan3A_26  : i32 {
      %mul3A_35 = arith.constant 2 : i32
      %mul3A_36 = arith.muli %mul3A_35, %scan3A_34 : i32
      %add3A_37 = arith.constant 1 : i32
      %add3A_38 = arith.addi %mul3A_36, %add3A_37 : i32
      %mul3A_39 = arith.constant 80 : i32
      %mul3A_40 = arith.muli %add3A_38, %mul3A_39 : i32
      %dma_start3A_41 = tpu.memref_slice %arg6[%mul3A_40] : memref<20000xi32, #tpu.memory_space<vmem>> -> memref<80xi32, #tpu.memory_space<vmem>>
      %dma_start3A_42 = arith.constant 0 : i32
      %dma_start3A_43 = arith.constant 0 : i32
      %dma_start3A_44 = tpu.memref_slice %arg2[%dma_start3A_42, %dma_start3A_43] : memref<10000x64xi32, #tpu.memory_space<hbm>> -> memref<10000x64xi32, #tpu.memory_space<hbm>>
      tpu.enqueue_indirect_dma source(%dma_start3A_44 : memref<10000x64xi32, #tpu.memory_space<hbm>>) target(%arg10 : memref<80x64xi32, #tpu.memory_space<vmem>>) offsets(%dma_start3A_41 : memref<80xi32, #tpu.memory_space<vmem>>) semaphore(%arg14 : memref<!tpu.dma_semaphore, #tpu.memory_space<semaphore_mem>>)
      %mul3A_45 = arith.constant 80 : i32
      %mul3A_46 = arith.muli %add3A_38, %mul3A_45 : i32
      %dma_start3A_47 = tpu.memref_slice %arg7[%mul3A_46] : memref<20000xi32, #tpu.memory_space<vmem>> -> memref<80xi32, #tpu.memory_space<vmem>>
      %dma_start3A_48 = arith.constant 0 : i32
      %dma_start3A_49 = arith.constant 0 : i32
      %dma_start3A_50 = tpu.memref_slice %arg2[%dma_start3A_48, %dma_start3A_49] : memref<10000x64xi32, #tpu.memory_space<hbm>> -> memref<10000x64xi32, #tpu.memory_space<hbm>>
      tpu.enqueue_indirect_dma source(%dma_start3A_50 : memref<10000x64xi32, #tpu.memory_space<hbm>>) target(%arg11 : memref<80x64xi32, #tpu.memory_space<vmem>>) offsets(%dma_start3A_47 : memref<80xi32, #tpu.memory_space<vmem>>) semaphore(%arg14 : memref<!tpu.dma_semaphore, #tpu.memory_space<semaphore_mem>>)
      %mul3A_51 = arith.constant 2 : i32
      %mul3A_52 = arith.muli %mul3A_51, %scan3A_34 : i32
      %mul3A_53 = arith.constant 80 : i32
      %mul3A_54 = arith.muli %mul3A_52, %mul3A_53 : i32
      %dma_wait3A = tpu.memref_slice %arg6[%mul3A_54] : memref<20000xi32, #tpu.memory_space<vmem>> -> memref<80xi32, #tpu.memory_space<vmem>>
      %dma_wait3A_55 = arith.constant 0 : i32
      %dma_wait3A_56 = arith.constant 0 : i32
      %dma_wait3A_57 = tpu.memref_slice %arg2[%dma_wait3A_55, %dma_wait3A_56] : memref<10000x64xi32, #tpu.memory_space<hbm>> -> memref<10000x64xi32, #tpu.memory_space<hbm>>
      tpu.wait_indirect_dma semaphore(%arg13 : memref<!tpu.dma_semaphore, #tpu.memory_space<semaphore_mem>>) src(%dma_wait3A_57 : memref<10000x64xi32, #tpu.memory_space<hbm>>) dst(%arg8 : memref<80x64xi32, #tpu.memory_space<vmem>>)
      %mul3A_58 = arith.constant 80 : i32
      %mul3A_59 = arith.muli %mul3A_52, %mul3A_58 : i32
      %dma_wait3A_60 = tpu.memref_slice %arg7[%mul3A_59] : memref<20000xi32, #tpu.memory_space<vmem>> -> memref<80xi32, #tpu.memory_space<vmem>>
      %dma_wait3A_61 = arith.constant 0 : i32
      %dma_wait3A_62 = arith.constant 0 : i32
      %dma_wait3A_63 = tpu.memref_slice %arg2[%dma_wait3A_61, %dma_wait3A_62] : memref<10000x64xi32, #tpu.memory_space<hbm>> -> memref<10000x64xi32, #tpu.memory_space<hbm>>
      tpu.wait_indirect_dma semaphore(%arg13 : memref<!tpu.dma_semaphore, #tpu.memory_space<semaphore_mem>>) src(%dma_wait3A_63 : memref<10000x64xi32, #tpu.memory_space<hbm>>) dst(%arg9 : memref<80x64xi32, #tpu.memory_space<vmem>>)
      %parallel_loop3A = arith.constant 0 : i32
      %parallel_loop3A_64 = arith.constant 20 : i32
      %parallel_loop3A_65 = arith.constant 1 : i32
      scf.for %parallel_loop3A_89 = %parallel_loop3A to %parallel_loop3A_64 step %parallel_loop3A_65  : i32 {
        %parallel_loop3A_90 = arith.constant 4 : i32
        %parallel_loop3A_91 = arith.muli %parallel_loop3A_89, %parallel_loop3A_90 : i32
        %parallel_loop3A_92 = arith.constant 0 : i32
        %parallel_loop3A_93 = arith.addi %parallel_loop3A_91, %parallel_loop3A_92 : i32
        %parallel_loop3A_94 = arith.constant 0.000000e+00 : bf16
        %parallel_loop3A_95 = vector.broadcast %parallel_loop3A_94 : bf16 to vector<32xbf16>
        %parallel_loop3A_96 = arith.index_cast %parallel_loop3A_93 : i32 to index
        %parallel_loop3A_97 = arith.constant 0 : index
        %parallel_loop3A_98 = tpu.vector_load %arg8[%parallel_loop3A_96, %parallel_loop3A_97] {strides = array<i32>} : memref<80x64xi32, #tpu.memory_space<vmem>>, vector<16xi32>,
        %parallel_loop3A_99 = vector.bitcast %parallel_loop3A_98 : vector<16xi32> to vector<32xbf16>
        %parallel_loop3A_100 = arith.index_cast %parallel_loop3A_93 : i32 to index
        %parallel_loop3A_101 = arith.constant 0 : index
        %parallel_loop3A_102 = tpu.vector_load %arg9[%parallel_loop3A_100, %parallel_loop3A_101] {strides = array<i32>} : memref<80x64xi32, #tpu.memory_space<vmem>>, vector<16xi32>,
        %parallel_loop3A_103 = vector.bitcast %parallel_loop3A_102 : vector<16xi32> to vector<32xbf16>
        %parallel_loop3A_104 = arith.mulf %parallel_loop3A_99, %parallel_loop3A_103 : vector<32xbf16>
        %parallel_loop3A_105 = arith.addf %parallel_loop3A_95, %parallel_loop3A_104 : vector<32xbf16>
        %parallel_loop3A_106 = arith.index_cast %parallel_loop3A_93 : i32 to index
        %parallel_loop3A_107 = arith.constant 16 : index
        %parallel_loop3A_108 = tpu.vector_load %arg8[%parallel_loop3A_106, %parallel_loop3A_107] {strides = array<i32>} : memref<80x64xi32, #tpu.memory_space<vmem>>, vector<16xi32>,
        %parallel_loop3A_109 = vector.bitcast %parallel_loop3A_108 : vector<16xi32> to vector<32xbf16>
        %parallel_loop3A_110 = arith.index_cast %parallel_loop3A_93 : i32 to index
        %parallel_loop3A_111 = arith.constant 16 : index
        %parallel_loop3A_112 = tpu.vector_load %arg9[%parallel_loop3A_110, %parallel_loop3A_111] {strides = array<i32>} : memref<80x64xi32, #tpu.memory_space<vmem>>, vector<16xi32>,
        %parallel_loop3A_113 = vector.bitcast %parallel_loop3A_112 : vector<16xi32> to vector<32xbf16>
        %parallel_loop3A_114 = arith.mulf %parallel_loop3A_109, %parallel_loop3A_113 : vector<32xbf16>
        %parallel_loop3A_115 = arith.addf %parallel_loop3A_105, %parallel_loop3A_114 : vector<32xbf16>
        %parallel_loop3A_116 = arith.index_cast %parallel_loop3A_93 : i32 to index
        %parallel_loop3A_117 = arith.constant 32 : index
        %parallel_loop3A_118 = tpu.vector_load %arg8[%parallel_loop3A_116, %parallel_loop3A_117] {strides = array<i32>} : memref<80x64xi32, #tpu.memory_space<vmem>>, vector<16xi32>,
        %parallel_loop3A_119 = vector.bitcast %parallel_loop3A_118 : vector<16xi32> to vector<32xbf16>
        %parallel_loop3A_120 = arith.index_cast %parallel_loop3A_93 : i32 to index
        %parallel_loop3A_121 = arith.constant 32 : index
        %parallel_loop3A_122 = tpu.vector_load %arg9[%parallel_loop3A_120, %parallel_loop3A_121] {strides = array<i32>} : memref<80x64xi32, #tpu.memory_space<vmem>>, vector<16xi32>,
        %parallel_loop3A_123 = vector.bitcast %parallel_loop3A_122 : vector<16xi32> to vector<32xbf16>
        %parallel_loop3A_124 = arith.mulf %parallel_loop3A_119, %parallel_loop3A_123 : vector<32xbf16>
        %parallel_loop3A_125 = arith.addf %parallel_loop3A_115, %parallel_loop3A_124 : vector<32xbf16>
        %parallel_loop3A_126 = arith.index_cast %parallel_loop3A_93 : i32 to index
        %parallel_loop3A_127 = arith.constant 48 : index
        %parallel_loop3A_128 = tpu.vector_load %arg8[%parallel_loop3A_126, %parallel_loop3A_127] {strides = array<i32>} : memref<80x64xi32, #tpu.memory_space<vmem>>, vector<16xi32>,
        %parallel_loop3A_129 = vector.bitcast %parallel_loop3A_128 : vector<16xi32> to vector<32xbf16>
        %parallel_loop3A_130 = arith.index_cast %parallel_loop3A_93 : i32 to index
        %parallel_loop3A_131 = arith.constant 48 : index
        %parallel_loop3A_132 = tpu.vector_load %arg9[%parallel_loop3A_130, %parallel_loop3A_131] {strides = array<i32>} : memref<80x64xi32, #tpu.memory_space<vmem>>, vector<16xi32>,
        %parallel_loop3A_133 = vector.bitcast %parallel_loop3A_132 : vector<16xi32> to vector<32xbf16>
        %parallel_loop3A_134 = arith.mulf %parallel_loop3A_129, %parallel_loop3A_133 : vector<32xbf16>
        %parallel_loop3A_135 = arith.addf %parallel_loop3A_125, %parallel_loop3A_134 : vector<32xbf16>
        %parallel_loop3A_136 = vector.bitcast %parallel_loop3A_135 : vector<32xbf16> to vector<16xi32>
        %parallel_loop3A_137 = arith.constant 16 : i32
        %parallel_loop3A_138 = vector.broadcast %parallel_loop3A_137 : i32 to vector<16xi32>
        %parallel_loop3A_139 = arith.shli %parallel_loop3A_136, %parallel_loop3A_138 : vector<16xi32>
        %parallel_loop3A_140 = tpu.bitcast %parallel_loop3A_139 : vector<16xi32> -> vector<16xf32>
        %parallel_loop3A_141 = arith.constant -65536 : i32
        %parallel_loop3A_142 = vector.broadcast %parallel_loop3A_141 : i32 to vector<16xi32>
        %parallel_loop3A_143 = arith.andi %parallel_loop3A_136, %parallel_loop3A_142 : vector<16xi32>
        %parallel_loop3A_144 = tpu.bitcast %parallel_loop3A_143 : vector<16xi32> -> vector<16xf32>
        %parallel_loop3A_145 = arith.addf %parallel_loop3A_140, %parallel_loop3A_144 : vector<16xf32>
        %parallel_loop3A_146 = arith.constant true
        %parallel_loop3A_147 = vector.broadcast %parallel_loop3A_146 : i1 to vector<16xi1>
        %parallel_loop3A_148 = tpu.scan <sum>, %parallel_loop3A_145 masked %parallel_loop3A_147 : vector<16xf32>, vector<16xi1> -> vector<16xf32>
        %parallel_loop3A_149 = vector.extract %parallel_loop3A_148[15] : f32 from vector<16xf32>
        %parallel_loop3A_150 = arith.constant 80 : i32
        %parallel_loop3A_151 = arith.muli %mul3A_52, %parallel_loop3A_150 : i32
        %parallel_loop3A_152 = arith.addi %parallel_loop3A_151, %parallel_loop3A_93 : i32
        %parallel_loop3A_153 = vector.broadcast %parallel_loop3A_152 : i32 to vector<16xi32>
        %parallel_loop3A_154 = vector.broadcast %parallel_loop3A_149 : f32 to vector<16xf32>
        tpu.vector_store_idx %arg12[%parallel_loop3A_153], %parallel_loop3A_154 masked %eq3A_2 : memref<20000xf32, #tpu.memory_space<vmem>>[vector<16xi32>], vector<16xf32>, vector<16xi1>
        %parallel_loop3A_155 = arith.constant 4 : i32
        %parallel_loop3A_156 = arith.muli %parallel_loop3A_89, %parallel_loop3A_155 : i32
        %parallel_loop3A_157 = arith.constant 1 : i32
        %parallel_loop3A_158 = arith.addi %parallel_loop3A_156, %parallel_loop3A_157 : i32
        %parallel_loop3A_159 = arith.constant 0.000000e+00 : bf16
        %parallel_loop3A_160 = vector.broadcast %parallel_loop3A_159 : bf16 to vector<32xbf16>
        %parallel_loop3A_161 = arith.index_cast %parallel_loop3A_158 : i32 to index
        %parallel_loop3A_162 = arith.constant 0 : index
        %parallel_loop3A_163 = tpu.vector_load %arg8[%parallel_loop3A_161, %parallel_loop3A_162] {strides = array<i32>} : memref<80x64xi32, #tpu.memory_space<vmem>>, vector<16xi32>,
        %parallel_loop3A_164 = vector.bitcast %parallel_loop3A_163 : vector<16xi32> to vector<32xbf16>
        %parallel_loop3A_165 = arith.index_cast %parallel_loop3A_158 : i32 to index
        %parallel_loop3A_166 = arith.constant 0 : index
        %parallel_loop3A_167 = tpu.vector_load %arg9[%parallel_loop3A_165, %parallel_loop3A_166] {strides = array<i32>} : memref<80x64xi32, #tpu.memory_space<vmem>>, vector<16xi32>,
        %parallel_loop3A_168 = vector.bitcast %parallel_loop3A_167 : vector<16xi32> to vector<32xbf16>
        %parallel_loop3A_169 = arith.mulf %parallel_loop3A_164, %parallel_loop3A_168 : vector<32xbf16>
        %parallel_loop3A_170 = arith.addf %parallel_loop3A_160, %parallel_loop3A_169 : vector<32xbf16>
        %parallel_loop3A_171 = arith.index_cast %parallel_loop3A_158 : i32 to index
        %parallel_loop3A_172 = arith.constant 16 : index
        %parallel_loop3A_173 = tpu.vector_load %arg8[%parallel_loop3A_171, %parallel_loop3A_172] {strides = array<i32>} : memref<80x64xi32, #tpu.memory_space<vmem>>, vector<16xi32>,
        %parallel_loop3A_174 = vector.bitcast %parallel_loop3A_173 : vector<16xi32> to vector<32xbf16>
        %parallel_loop3A_175 = arith.index_cast %parallel_loop3A_158 : i32 to index
        %parallel_loop3A_176 = arith.constant 16 : index
        %parallel_loop3A_177 = tpu.vector_load %arg9[%parallel_loop3A_175, %parallel_loop3A_176] {strides = array<i32>} : memref<80x64xi32, #tpu.memory_space<vmem>>, vector<16xi32>,
        %parallel_loop3A_178 = vector.bitcast %parallel_loop3A_177 : vector<16xi32> to vector<32xbf16>
        %parallel_loop3A_179 = arith.mulf %parallel_loop3A_174, %parallel_loop3A_178 : vector<32xbf16>
        %parallel_loop3A_180 = arith.addf %parallel_loop3A_170, %parallel_loop3A_179 : vector<32xbf16>
        %parallel_loop3A_181 = arith.index_cast %parallel_loop3A_158 : i32 to index
        %parallel_loop3A_182 = arith.constant 32 : index
        %parallel_loop3A_183 = tpu.vector_load %arg8[%parallel_loop3A_181, %parallel_loop3A_182] {strides = array<i32>} : memref<80x64xi32, #tpu.memory_space<vmem>>, vector<16xi32>,
        %parallel_loop3A_184 = vector.bitcast %parallel_loop3A_183 : vector<16xi32> to vector<32xbf16>
        %parallel_loop3A_185 = arith.index_cast %parallel_loop3A_158 : i32 to index
        %parallel_loop3A_186 = arith.constant 32 : index
        %parallel_loop3A_187 = tpu.vector_load %arg9[%parallel_loop3A_185, %parallel_loop3A_186] {strides = array<i32>} : memref<80x64xi32, #tpu.memory_space<vmem>>, vector<16xi32>,
        %parallel_loop3A_188 = vector.bitcast %parallel_loop3A_187 : vector<16xi32> to vector<32xbf16>
        %parallel_loop3A_189 = arith.mulf %parallel_loop3A_184, %parallel_loop3A_188 : vector<32xbf16>
        %parallel_loop3A_190 = arith.addf %parallel_loop3A_180, %parallel_loop3A_189 : vector<32xbf16>
        %parallel_loop3A_191 = arith.index_cast %parallel_loop3A_158 : i32 to index
        %parallel_loop3A_192 = arith.constant 48 : index
        %parallel_loop3A_193 = tpu.vector_load %arg8[%parallel_loop3A_191, %parallel_loop3A_192] {strides = array<i32>} : memref<80x64xi32, #tpu.memory_space<vmem>>, vector<16xi32>,
        %parallel_loop3A_194 = vector.bitcast %parallel_loop3A_193 : vector<16xi32> to vector<32xbf16>
        %parallel_loop3A_195 = arith.index_cast %parallel_loop3A_158 : i32 to index
        %parallel_loop3A_196 = arith.constant 48 : index
        %parallel_loop3A_197 = tpu.vector_load %arg9[%parallel_loop3A_195, %parallel_loop3A_196] {strides = array<i32>} : memref<80x64xi32, #tpu.memory_space<vmem>>, vector<16xi32>,
        %parallel_loop3A_198 = vector.bitcast %parallel_loop3A_197 : vector<16xi32> to vector<32xbf16>
        %parallel_loop3A_199 = arith.mulf %parallel_loop3A_194, %parallel_loop3A_198 : vector<32xbf16>
        %parallel_loop3A_200 = arith.addf %parallel_loop3A_190, %parallel_loop3A_199 : vector<32xbf16>
        %parallel_loop3A_201 = vector.bitcast %parallel_loop3A_200 : vector<32xbf16> to vector<16xi32>
        %parallel_loop3A_202 = arith.constant 16 : i32
        %parallel_loop3A_203 = vector.broadcast %parallel_loop3A_202 : i32 to vector<16xi32>
        %parallel_loop3A_204 = arith.shli %parallel_loop3A_201, %parallel_loop3A_203 : vector<16xi32>
        %parallel_loop3A_205 = tpu.bitcast %parallel_loop3A_204 : vector<16xi32> -> vector<16xf32>
        %parallel_loop3A_206 = arith.constant -65536 : i32
        %parallel_loop3A_207 = vector.broadcast %parallel_loop3A_206 : i32 to vector<16xi32>
        %parallel_loop3A_208 = arith.andi %parallel_loop3A_201, %parallel_loop3A_207 : vector<16xi32>
        %parallel_loop3A_209 = tpu.bitcast %parallel_loop3A_208 : vector<16xi32> -> vector<16xf32>
        %parallel_loop3A_210 = arith.addf %parallel_loop3A_205, %parallel_loop3A_209 : vector<16xf32>
        %parallel_loop3A_211 = arith.constant true
        %parallel_loop3A_212 = vector.broadcast %parallel_loop3A_211 : i1 to vector<16xi1>
        %parallel_loop3A_213 = tpu.scan <sum>, %parallel_loop3A_210 masked %parallel_loop3A_212 : vector<16xf32>, vector<16xi1> -> vector<16xf32>
        %parallel_loop3A_214 = vector.extract %parallel_loop3A_213[15] : f32 from vector<16xf32>
        %parallel_loop3A_215 = arith.constant 80 : i32
        %parallel_loop3A_216 = arith.muli %mul3A_52, %parallel_loop3A_215 : i32
        %parallel_loop3A_217 = arith.addi %parallel_loop3A_216, %parallel_loop3A_158 : i32
        %parallel_loop3A_218 = vector.broadcast %parallel_loop3A_217 : i32 to vector<16xi32>
        %parallel_loop3A_219 = vector.broadcast %parallel_loop3A_214 : f32 to vector<16xf32>
        tpu.vector_store_idx %arg12[%parallel_loop3A_218], %parallel_loop3A_219 masked %eq3A_2 : memref<20000xf32, #tpu.memory_space<vmem>>[vector<16xi32>], vector<16xf32>, vector<16xi1>
        %parallel_loop3A_220 = arith.constant 4 : i32
        %parallel_loop3A_221 = arith.muli %parallel_loop3A_89, %parallel_loop3A_220 : i32
        %parallel_loop3A_222 = arith.constant 2 : i32
        %parallel_loop3A_223 = arith.addi %parallel_loop3A_221, %parallel_loop3A_222 : i32
        %parallel_loop3A_224 = arith.constant 0.000000e+00 : bf16
        %parallel_loop3A_225 = vector.broadcast %parallel_loop3A_224 : bf16 to vector<32xbf16>
        %parallel_loop3A_226 = arith.index_cast %parallel_loop3A_223 : i32 to index
        %parallel_loop3A_227 = arith.constant 0 : index
        %parallel_loop3A_228 = tpu.vector_load %arg8[%parallel_loop3A_226, %parallel_loop3A_227] {strides = array<i32>} : memref<80x64xi32, #tpu.memory_space<vmem>>, vector<16xi32>,
        %parallel_loop3A_229 = vector.bitcast %parallel_loop3A_228 : vector<16xi32> to vector<32xbf16>
        %parallel_loop3A_230 = arith.index_cast %parallel_loop3A_223 : i32 to index
        %parallel_loop3A_231 = arith.constant 0 : index
        %parallel_loop3A_232 = tpu.vector_load %arg9[%parallel_loop3A_230, %parallel_loop3A_231] {strides = array<i32>} : memref<80x64xi32, #tpu.memory_space<vmem>>, vector<16xi32>,
        %parallel_loop3A_233 = vector.bitcast %parallel_loop3A_232 : vector<16xi32> to vector<32xbf16>
        %parallel_loop3A_234 = arith.mulf %parallel_loop3A_229, %parallel_loop3A_233 : vector<32xbf16>
        %parallel_loop3A_235 = arith.addf %parallel_loop3A_225, %parallel_loop3A_234 : vector<32xbf16>
        %parallel_loop3A_236 = arith.index_cast %parallel_loop3A_223 : i32 to index
        %parallel_loop3A_237 = arith.constant 16 : index
        %parallel_loop3A_238 = tpu.vector_load %arg8[%parallel_loop3A_236, %parallel_loop3A_237] {strides = array<i32>} : memref<80x64xi32, #tpu.memory_space<vmem>>, vector<16xi32>,
        %parallel_loop3A_239 = vector.bitcast %parallel_loop3A_238 : vector<16xi32> to vector<32xbf16>
        %parallel_loop3A_240 = arith.index_cast %parallel_loop3A_223 : i32 to index
        %parallel_loop3A_241 = arith.constant 16 : index
        %parallel_loop3A_242 = tpu.vector_load %arg9[%parallel_loop3A_240, %parallel_loop3A_241] {strides = array<i32>} : memref<80x64xi32, #tpu.memory_space<vmem>>, vector<16xi32>,
        %parallel_loop3A_243 = vector.bitcast %parallel_loop3A_242 : vector<16xi32> to vector<32xbf16>
        %parallel_loop3A_244 = arith.mulf %parallel_loop3A_239, %parallel_loop3A_243 : vector<32xbf16>
        %parallel_loop3A_245 = arith.addf %parallel_loop3A_235, %parallel_loop3A_244 : vector<32xbf16>
        %parallel_loop3A_246 = arith.index_cast %parallel_loop3A_223 : i32 to index
        %parallel_loop3A_247 = arith.constant 32 : index
        %parallel_loop3A_248 = tpu.vector_load %arg8[%parallel_loop3A_246, %parallel_loop3A_247] {strides = array<i32>} : memref<80x64xi32, #tpu.memory_space<vmem>>, vector<16xi32>,
        %parallel_loop3A_249 = vector.bitcast %parallel_loop3A_248 : vector<16xi32> to vector<32xbf16>
        %parallel_loop3A_250 = arith.index_cast %parallel_loop3A_223 : i32 to index
        %parallel_loop3A_251 = arith.constant 32 : index
        %parallel_loop3A_252 = tpu.vector_load %arg9[%parallel_loop3A_250, %parallel_loop3A_251] {strides = array<i32>} : memref<80x64xi32, #tpu.memory_space<vmem>>, vector<16xi32>,
        %parallel_loop3A_253 = vector.bitcast %parallel_loop3A_252 : vector<16xi32> to vector<32xbf16>
        %parallel_loop3A_254 = arith.mulf %parallel_loop3A_249, %parallel_loop3A_253 : vector<32xbf16>
        %parallel_loop3A_255 = arith.addf %parallel_loop3A_245, %parallel_loop3A_254 : vector<32xbf16>
        %parallel_loop3A_256 = arith.index_cast %parallel_loop3A_223 : i32 to index
        %parallel_loop3A_257 = arith.constant 48 : index
        %parallel_loop3A_258 = tpu.vector_load %arg8[%parallel_loop3A_256, %parallel_loop3A_257] {strides = array<i32>} : memref<80x64xi32, #tpu.memory_space<vmem>>, vector<16xi32>,
        %parallel_loop3A_259 = vector.bitcast %parallel_loop3A_258 : vector<16xi32> to vector<32xbf16>
        %parallel_loop3A_260 = arith.index_cast %parallel_loop3A_223 : i32 to index
        %parallel_loop3A_261 = arith.constant 48 : index
        %parallel_loop3A_262 = tpu.vector_load %arg9[%parallel_loop3A_260, %parallel_loop3A_261] {strides = array<i32>} : memref<80x64xi32, #tpu.memory_space<vmem>>, vector<16xi32>,
        %parallel_loop3A_263 = vector.bitcast %parallel_loop3A_262 : vector<16xi32> to vector<32xbf16>
        %parallel_loop3A_264 = arith.mulf %parallel_loop3A_259, %parallel_loop3A_263 : vector<32xbf16>
        %parallel_loop3A_265 = arith.addf %parallel_loop3A_255, %parallel_loop3A_264 : vector<32xbf16>
        %parallel_loop3A_266 = vector.bitcast %parallel_loop3A_265 : vector<32xbf16> to vector<16xi32>
        %parallel_loop3A_267 = arith.constant 16 : i32
        %parallel_loop3A_268 = vector.broadcast %parallel_loop3A_267 : i32 to vector<16xi32>
        %parallel_loop3A_269 = arith.shli %parallel_loop3A_266, %parallel_loop3A_268 : vector<16xi32>
        %parallel_loop3A_270 = tpu.bitcast %parallel_loop3A_269 : vector<16xi32> -> vector<16xf32>
        %parallel_loop3A_271 = arith.constant -65536 : i32
        %parallel_loop3A_272 = vector.broadcast %parallel_loop3A_271 : i32 to vector<16xi32>
        %parallel_loop3A_273 = arith.andi %parallel_loop3A_266, %parallel_loop3A_272 : vector<16xi32>
        %parallel_loop3A_274 = tpu.bitcast %parallel_loop3A_273 : vector<16xi32> -> vector<16xf32>
        %parallel_loop3A_275 = arith.addf %parallel_loop3A_270, %parallel_loop3A_274 : vector<16xf32>
        %parallel_loop3A_276 = arith.constant true
        %parallel_loop3A_277 = vector.broadcast %parallel_loop3A_276 : i1 to vector<16xi1>
        %parallel_loop3A_278 = tpu.scan <sum>, %parallel_loop3A_275 masked %parallel_loop3A_277 : vector<16xf32>, vector<16xi1> -> vector<16xf32>
        %parallel_loop3A_279 = vector.extract %parallel_loop3A_278[15] : f32 from vector<16xf32>
        %parallel_loop3A_280 = arith.constant 80 : i32
        %parallel_loop3A_281 = arith.muli %mul3A_52, %parallel_loop3A_280 : i32
        %parallel_loop3A_282 = arith.addi %parallel_loop3A_281, %parallel_loop3A_223 : i32
        %parallel_loop3A_283 = vector.broadcast %parallel_loop3A_282 : i32 to vector<16xi32>
        %parallel_loop3A_284 = vector.broadcast %parallel_loop3A_279 : f32 to vector<16xf32>
        tpu.vector_store_idx %arg12[%parallel_loop3A_283], %parallel_loop3A_284 masked %eq3A_2 : memref<20000xf32, #tpu.memory_space<vmem>>[vector<16xi32>], vector<16xf32>, vector<16xi1>
        %parallel_loop3A_285 = arith.constant 4 : i32
        %parallel_loop3A_286 = arith.muli %parallel_loop3A_89, %parallel_loop3A_285 : i32
        %parallel_loop3A_287 = arith.constant 3 : i32
        %parallel_loop3A_288 = arith.addi %parallel_loop3A_286, %parallel_loop3A_287 : i32
        %parallel_loop3A_289 = arith.constant 0.000000e+00 : bf16
        %parallel_loop3A_290 = vector.broadcast %parallel_loop3A_289 : bf16 to vector<32xbf16>
        %parallel_loop3A_291 = arith.index_cast %parallel_loop3A_288 : i32 to index
        %parallel_loop3A_292 = arith.constant 0 : index
        %parallel_loop3A_293 = tpu.vector_load %arg8[%parallel_loop3A_291, %parallel_loop3A_292] {strides = array<i32>} : memref<80x64xi32, #tpu.memory_space<vmem>>, vector<16xi32>,
        %parallel_loop3A_294 = vector.bitcast %parallel_loop3A_293 : vector<16xi32> to vector<32xbf16>
        %parallel_loop3A_295 = arith.index_cast %parallel_loop3A_288 : i32 to index
        %parallel_loop3A_296 = arith.constant 0 : index
        %parallel_loop3A_297 = tpu.vector_load %arg9[%parallel_loop3A_295, %parallel_loop3A_296] {strides = array<i32>} : memref<80x64xi32, #tpu.memory_space<vmem>>, vector<16xi32>,
        %parallel_loop3A_298 = vector.bitcast %parallel_loop3A_297 : vector<16xi32> to vector<32xbf16>
        %parallel_loop3A_299 = arith.mulf %parallel_loop3A_294, %parallel_loop3A_298 : vector<32xbf16>
        %parallel_loop3A_300 = arith.addf %parallel_loop3A_290, %parallel_loop3A_299 : vector<32xbf16>
        %parallel_loop3A_301 = arith.index_cast %parallel_loop3A_288 : i32 to index
        %parallel_loop3A_302 = arith.constant 16 : index
        %parallel_loop3A_303 = tpu.vector_load %arg8[%parallel_loop3A_301, %parallel_loop3A_302] {strides = array<i32>} : memref<80x64xi32, #tpu.memory_space<vmem>>, vector<16xi32>,
        %parallel_loop3A_304 = vector.bitcast %parallel_loop3A_303 : vector<16xi32> to vector<32xbf16>
        %parallel_loop3A_305 = arith.index_cast %parallel_loop3A_288 : i32 to index
        %parallel_loop3A_306 = arith.constant 16 : index
        %parallel_loop3A_307 = tpu.vector_load %arg9[%parallel_loop3A_305, %parallel_loop3A_306] {strides = array<i32>} : memref<80x64xi32, #tpu.memory_space<vmem>>, vector<16xi32>,
        %parallel_loop3A_308 = vector.bitcast %parallel_loop3A_307 : vector<16xi32> to vector<32xbf16>
        %parallel_loop3A_309 = arith.mulf %parallel_loop3A_304, %parallel_loop3A_308 : vector<32xbf16>
        %parallel_loop3A_310 = arith.addf %parallel_loop3A_300, %parallel_loop3A_309 : vector<32xbf16>
        %parallel_loop3A_311 = arith.index_cast %parallel_loop3A_288 : i32 to index
        %parallel_loop3A_312 = arith.constant 32 : index
        %parallel_loop3A_313 = tpu.vector_load %arg8[%parallel_loop3A_311, %parallel_loop3A_312] {strides = array<i32>} : memref<80x64xi32, #tpu.memory_space<vmem>>, vector<16xi32>,
        %parallel_loop3A_314 = vector.bitcast %parallel_loop3A_313 : vector<16xi32> to vector<32xbf16>
        %parallel_loop3A_315 = arith.index_cast %parallel_loop3A_288 : i32 to index
        %parallel_loop3A_316 = arith.constant 32 : index
        %parallel_loop3A_317 = tpu.vector_load %arg9[%parallel_loop3A_315, %parallel_loop3A_316] {strides = array<i32>} : memref<80x64xi32, #tpu.memory_space<vmem>>, vector<16xi32>,
        %parallel_loop3A_318 = vector.bitcast %parallel_loop3A_317 : vector<16xi32> to vector<32xbf16>
        %parallel_loop3A_319 = arith.mulf %parallel_loop3A_314, %parallel_loop3A_318 : vector<32xbf16>
        %parallel_loop3A_320 = arith.addf %parallel_loop3A_310, %parallel_loop3A_319 : vector<32xbf16>
        %parallel_loop3A_321 = arith.index_cast %parallel_loop3A_288 : i32 to index
        %parallel_loop3A_322 = arith.constant 48 : index
        %parallel_loop3A_323 = tpu.vector_load %arg8[%parallel_loop3A_321, %parallel_loop3A_322] {strides = array<i32>} : memref<80x64xi32, #tpu.memory_space<vmem>>, vector<16xi32>,
        %parallel_loop3A_324 = vector.bitcast %parallel_loop3A_323 : vector<16xi32> to vector<32xbf16>
        %parallel_loop3A_325 = arith.index_cast %parallel_loop3A_288 : i32 to index
        %parallel_loop3A_326 = arith.constant 48 : index
        %parallel_loop3A_327 = tpu.vector_load %arg9[%parallel_loop3A_325, %parallel_loop3A_326] {strides = array<i32>} : memref<80x64xi32, #tpu.memory_space<vmem>>, vector<16xi32>,
        %parallel_loop3A_328 = vector.bitcast %parallel_loop3A_327 : vector<16xi32> to vector<32xbf16>
        %parallel_loop3A_329 = arith.mulf %parallel_loop3A_324, %parallel_loop3A_328 : vector<32xbf16>
        %parallel_loop3A_330 = arith.addf %parallel_loop3A_320, %parallel_loop3A_329 : vector<32xbf16>
        %parallel_loop3A_331 = vector.bitcast %parallel_loop3A_330 : vector<32xbf16> to vector<16xi32>
        %parallel_loop3A_332 = arith.constant 16 : i32
        %parallel_loop3A_333 = vector.broadcast %parallel_loop3A_332 : i32 to vector<16xi32>
        %parallel_loop3A_334 = arith.shli %parallel_loop3A_331, %parallel_loop3A_333 : vector<16xi32>
        %parallel_loop3A_335 = tpu.bitcast %parallel_loop3A_334 : vector<16xi32> -> vector<16xf32>
        %parallel_loop3A_336 = arith.constant -65536 : i32
        %parallel_loop3A_337 = vector.broadcast %parallel_loop3A_336 : i32 to vector<16xi32>
        %parallel_loop3A_338 = arith.andi %parallel_loop3A_331, %parallel_loop3A_337 : vector<16xi32>
        %parallel_loop3A_339 = tpu.bitcast %parallel_loop3A_338 : vector<16xi32> -> vector<16xf32>
        %parallel_loop3A_340 = arith.addf %parallel_loop3A_335, %parallel_loop3A_339 : vector<16xf32>
        %parallel_loop3A_341 = arith.constant true
        %parallel_loop3A_342 = vector.broadcast %parallel_loop3A_341 : i1 to vector<16xi1>
        %parallel_loop3A_343 = tpu.scan <sum>, %parallel_loop3A_340 masked %parallel_loop3A_342 : vector<16xf32>, vector<16xi1> -> vector<16xf32>
        %parallel_loop3A_344 = vector.extract %parallel_loop3A_343[15] : f32 from vector<16xf32>
        %parallel_loop3A_345 = arith.constant 80 : i32
        %parallel_loop3A_346 = arith.muli %mul3A_52, %parallel_loop3A_345 : i32
        %parallel_loop3A_347 = arith.addi %parallel_loop3A_346, %parallel_loop3A_288 : i32
        %parallel_loop3A_348 = vector.broadcast %parallel_loop3A_347 : i32 to vector<16xi32>
        %parallel_loop3A_349 = vector.broadcast %parallel_loop3A_344 : f32 to vector<16xf32>
        tpu.vector_store_idx %arg12[%parallel_loop3A_348], %parallel_loop3A_349 masked %eq3A_2 : memref<20000xf32, #tpu.memory_space<vmem>>[vector<16xi32>], vector<16xf32>, vector<16xi1>
      } {sc.loop_unroll_factor = 2 : i64, sc.parallel_access}
      %add3A_66 = arith.constant 1 : i32
      %add3A_67 = arith.addi %scan3A_34, %add3A_66 : i32
      %lt3A = arith.constant 125 : i32
      %lt3A_68 = arith.cmpi slt, %add3A_67, %lt3A : i32
      %convert_element_type3A = arith.extui %lt3A_68 : i1 to i32
      %cond3A = arith.constant 0 : i32
      %cond3A_69 = arith.cmpi ne, %convert_element_type3A, %cond3A : i32
      scf.if %cond3A_69 {
        %mul3A_89 = arith.constant 2 : i32
        %mul3A_90 = arith.muli %mul3A_89, %scan3A_34 : i32
        %add3A_91 = arith.constant 2 : i32
        %add3A_92 = arith.addi %mul3A_90, %add3A_91 : i32
        %mul3A_93 = arith.constant 80 : i32
        %mul3A_94 = arith.muli %add3A_92, %mul3A_93 : i32
        %dma_start3A_95 = tpu.memref_slice %arg6[%mul3A_94] : memref<20000xi32, #tpu.memory_space<vmem>> -> memref<80xi32, #tpu.memory_space<vmem>>
        %dma_start3A_96 = arith.constant 0 : i32
        %dma_start3A_97 = arith.constant 0 : i32
        %dma_start3A_98 = tpu.memref_slice %arg2[%dma_start3A_96, %dma_start3A_97] : memref<10000x64xi32, #tpu.memory_space<hbm>> -> memref<10000x64xi32, #tpu.memory_space<hbm>>
        tpu.enqueue_indirect_dma source(%dma_start3A_98 : memref<10000x64xi32, #tpu.memory_space<hbm>>) target(%arg8 : memref<80x64xi32, #tpu.memory_space<vmem>>) offsets(%dma_start3A_95 : memref<80xi32, #tpu.memory_space<vmem>>) semaphore(%arg13 : memref<!tpu.dma_semaphore, #tpu.memory_space<semaphore_mem>>)
        %mul3A_99 = arith.constant 80 : i32
        %mul3A_100 = arith.muli %add3A_92, %mul3A_99 : i32
        %dma_start3A_101 = tpu.memref_slice %arg7[%mul3A_100] : memref<20000xi32, #tpu.memory_space<vmem>> -> memref<80xi32, #tpu.memory_space<vmem>>
        %dma_start3A_102 = arith.constant 0 : i32
        %dma_start3A_103 = arith.constant 0 : i32
        %dma_start3A_104 = tpu.memref_slice %arg2[%dma_start3A_102, %dma_start3A_103] : memref<10000x64xi32, #tpu.memory_space<hbm>> -> memref<10000x64xi32, #tpu.memory_space<hbm>>
        tpu.enqueue_indirect_dma source(%dma_start3A_104 : memref<10000x64xi32, #tpu.memory_space<hbm>>) target(%arg9 : memref<80x64xi32, #tpu.memory_space<vmem>>) offsets(%dma_start3A_101 : memref<80xi32, #tpu.memory_space<vmem>>) semaphore(%arg13 : memref<!tpu.dma_semaphore, #tpu.memory_space<semaphore_mem>>)
      } else {
      }
      %mul3A_70 = arith.constant 2 : i32
      %mul3A_71 = arith.muli %mul3A_70, %scan3A_34 : i32
      %add3A_72 = arith.constant 1 : i32
      %add3A_73 = arith.addi %mul3A_71, %add3A_72 : i32
      %mul3A_74 = arith.constant 80 : i32
      %mul3A_75 = arith.muli %add3A_73, %mul3A_74 : i32
      %dma_wait3A_76 = tpu.memref_slice %arg6[%mul3A_75] : memref<20000xi32, #tpu.memory_space<vmem>> -> memref<80xi32, #tpu.memory_space<vmem>>
      %dma_wait3A_77 = arith.constant 0 : i32
      %dma_wait3A_78 = arith.constant 0 : i32
      %dma_wait3A_79 = tpu.memref_slice %arg2[%dma_wait3A_77, %dma_wait3A_78] : memref<10000x64xi32, #tpu.memory_space<hbm>> -> memref<10000x64xi32, #tpu.memory_space<hbm>>
      tpu.wait_indirect_dma semaphore(%arg14 : memref<!tpu.dma_semaphore, #tpu.memory_space<semaphore_mem>>) src(%dma_wait3A_79 : memref<10000x64xi32, #tpu.memory_space<hbm>>) dst(%arg10 : memref<80x64xi32, #tpu.memory_space<vmem>>)
      %mul3A_80 = arith.constant 80 : i32
      %mul3A_81 = arith.muli %add3A_73, %mul3A_80 : i32
      %dma_wait3A_82 = tpu.memref_slice %arg7[%mul3A_81] : memref<20000xi32, #tpu.memory_space<vmem>> -> memref<80xi32, #tpu.memory_space<vmem>>
      %dma_wait3A_83 = arith.constant 0 : i32
      %dma_wait3A_84 = arith.constant 0 : i32
      %dma_wait3A_85 = tpu.memref_slice %arg2[%dma_wait3A_83, %dma_wait3A_84] : memref<10000x64xi32, #tpu.memory_space<hbm>> -> memref<10000x64xi32, #tpu.memory_space<hbm>>
      tpu.wait_indirect_dma semaphore(%arg14 : memref<!tpu.dma_semaphore, #tpu.memory_space<semaphore_mem>>) src(%dma_wait3A_85 : memref<10000x64xi32, #tpu.memory_space<hbm>>) dst(%arg11 : memref<80x64xi32, #tpu.memory_space<vmem>>)
      %parallel_loop3A_86 = arith.constant 0 : i32
      %parallel_loop3A_87 = arith.constant 20 : i32
      %parallel_loop3A_88 = arith.constant 1 : i32
      scf.for %parallel_loop3A_89 = %parallel_loop3A_86 to %parallel_loop3A_87 step %parallel_loop3A_88  : i32 {
        %parallel_loop3A_90 = arith.constant 4 : i32
        %parallel_loop3A_91 = arith.muli %parallel_loop3A_89, %parallel_loop3A_90 : i32
        %parallel_loop3A_92 = arith.constant 0 : i32
        %parallel_loop3A_93 = arith.addi %parallel_loop3A_91, %parallel_loop3A_92 : i32
        %parallel_loop3A_94 = arith.constant 0.000000e+00 : bf16
        %parallel_loop3A_95 = vector.broadcast %parallel_loop3A_94 : bf16 to vector<32xbf16>
        %parallel_loop3A_96 = arith.index_cast %parallel_loop3A_93 : i32 to index
        %parallel_loop3A_97 = arith.constant 0 : index
        %parallel_loop3A_98 = tpu.vector_load %arg10[%parallel_loop3A_96, %parallel_loop3A_97] {strides = array<i32>} : memref<80x64xi32, #tpu.memory_space<vmem>>, vector<16xi32>,
        %parallel_loop3A_99 = vector.bitcast %parallel_loop3A_98 : vector<16xi32> to vector<32xbf16>
        %parallel_loop3A_100 = arith.index_cast %parallel_loop3A_93 : i32 to index
        %parallel_loop3A_101 = arith.constant 0 : index
        %parallel_loop3A_102 = tpu.vector_load %arg11[%parallel_loop3A_100, %parallel_loop3A_101] {strides = array<i32>} : memref<80x64xi32, #tpu.memory_space<vmem>>, vector<16xi32>,
        %parallel_loop3A_103 = vector.bitcast %parallel_loop3A_102 : vector<16xi32> to vector<32xbf16>
        %parallel_loop3A_104 = arith.mulf %parallel_loop3A_99, %parallel_loop3A_103 : vector<32xbf16>
        %parallel_loop3A_105 = arith.addf %parallel_loop3A_95, %parallel_loop3A_104 : vector<32xbf16>
        %parallel_loop3A_106 = arith.index_cast %parallel_loop3A_93 : i32 to index
        %parallel_loop3A_107 = arith.constant 16 : index
        %parallel_loop3A_108 = tpu.vector_load %arg10[%parallel_loop3A_106, %parallel_loop3A_107] {strides = array<i32>} : memref<80x64xi32, #tpu.memory_space<vmem>>, vector<16xi32>,
        %parallel_loop3A_109 = vector.bitcast %parallel_loop3A_108 : vector<16xi32> to vector<32xbf16>
        %parallel_loop3A_110 = arith.index_cast %parallel_loop3A_93 : i32 to index
        %parallel_loop3A_111 = arith.constant 16 : index
        %parallel_loop3A_112 = tpu.vector_load %arg11[%parallel_loop3A_110, %parallel_loop3A_111] {strides = array<i32>} : memref<80x64xi32, #tpu.memory_space<vmem>>, vector<16xi32>,
        %parallel_loop3A_113 = vector.bitcast %parallel_loop3A_112 : vector<16xi32> to vector<32xbf16>
        %parallel_loop3A_114 = arith.mulf %parallel_loop3A_109, %parallel_loop3A_113 : vector<32xbf16>
        %parallel_loop3A_115 = arith.addf %parallel_loop3A_105, %parallel_loop3A_114 : vector<32xbf16>
        %parallel_loop3A_116 = arith.index_cast %parallel_loop3A_93 : i32 to index
        %parallel_loop3A_117 = arith.constant 32 : index
        %parallel_loop3A_118 = tpu.vector_load %arg10[%parallel_loop3A_116, %parallel_loop3A_117] {strides = array<i32>} : memref<80x64xi32, #tpu.memory_space<vmem>>, vector<16xi32>,
        %parallel_loop3A_119 = vector.bitcast %parallel_loop3A_118 : vector<16xi32> to vector<32xbf16>
        %parallel_loop3A_120 = arith.index_cast %parallel_loop3A_93 : i32 to index
        %parallel_loop3A_121 = arith.constant 32 : index
        %parallel_loop3A_122 = tpu.vector_load %arg11[%parallel_loop3A_120, %parallel_loop3A_121] {strides = array<i32>} : memref<80x64xi32, #tpu.memory_space<vmem>>, vector<16xi32>,
        %parallel_loop3A_123 = vector.bitcast %parallel_loop3A_122 : vector<16xi32> to vector<32xbf16>
        %parallel_loop3A_124 = arith.mulf %parallel_loop3A_119, %parallel_loop3A_123 : vector<32xbf16>
        %parallel_loop3A_125 = arith.addf %parallel_loop3A_115, %parallel_loop3A_124 : vector<32xbf16>
        %parallel_loop3A_126 = arith.index_cast %parallel_loop3A_93 : i32 to index
        %parallel_loop3A_127 = arith.constant 48 : index
        %parallel_loop3A_128 = tpu.vector_load %arg10[%parallel_loop3A_126, %parallel_loop3A_127] {strides = array<i32>} : memref<80x64xi32, #tpu.memory_space<vmem>>, vector<16xi32>,
        %parallel_loop3A_129 = vector.bitcast %parallel_loop3A_128 : vector<16xi32> to vector<32xbf16>
        %parallel_loop3A_130 = arith.index_cast %parallel_loop3A_93 : i32 to index
        %parallel_loop3A_131 = arith.constant 48 : index
        %parallel_loop3A_132 = tpu.vector_load %arg11[%parallel_loop3A_130, %parallel_loop3A_131] {strides = array<i32>} : memref<80x64xi32, #tpu.memory_space<vmem>>, vector<16xi32>,
        %parallel_loop3A_133 = vector.bitcast %parallel_loop3A_132 : vector<16xi32> to vector<32xbf16>
        %parallel_loop3A_134 = arith.mulf %parallel_loop3A_129, %parallel_loop3A_133 : vector<32xbf16>
        %parallel_loop3A_135 = arith.addf %parallel_loop3A_125, %parallel_loop3A_134 : vector<32xbf16>
        %parallel_loop3A_136 = vector.bitcast %parallel_loop3A_135 : vector<32xbf16> to vector<16xi32>
        %parallel_loop3A_137 = arith.constant 16 : i32
        %parallel_loop3A_138 = vector.broadcast %parallel_loop3A_137 : i32 to vector<16xi32>
        %parallel_loop3A_139 = arith.shli %parallel_loop3A_136, %parallel_loop3A_138 : vector<16xi32>
        %parallel_loop3A_140 = tpu.bitcast %parallel_loop3A_139 : vector<16xi32> -> vector<16xf32>
        %parallel_loop3A_141 = arith.constant -65536 : i32
        %parallel_loop3A_142 = vector.broadcast %parallel_loop3A_141 : i32 to vector<16xi32>
        %parallel_loop3A_143 = arith.andi %parallel_loop3A_136, %parallel_loop3A_142 : vector<16xi32>
        %parallel_loop3A_144 = tpu.bitcast %parallel_loop3A_143 : vector<16xi32> -> vector<16xf32>
        %parallel_loop3A_145 = arith.addf %parallel_loop3A_140, %parallel_loop3A_144 : vector<16xf32>
        %parallel_loop3A_146 = arith.constant true
        %parallel_loop3A_147 = vector.broadcast %parallel_loop3A_146 : i1 to vector<16xi1>
        %parallel_loop3A_148 = tpu.scan <sum>, %parallel_loop3A_145 masked %parallel_loop3A_147 : vector<16xf32>, vector<16xi1> -> vector<16xf32>
        %parallel_loop3A_149 = vector.extract %parallel_loop3A_148[15] : f32 from vector<16xf32>
        %parallel_loop3A_150 = arith.constant 80 : i32
        %parallel_loop3A_151 = arith.muli %add3A_73, %parallel_loop3A_150 : i32
        %parallel_loop3A_152 = arith.addi %parallel_loop3A_151, %parallel_loop3A_93 : i32
        %parallel_loop3A_153 = vector.broadcast %parallel_loop3A_152 : i32 to vector<16xi32>
        %parallel_loop3A_154 = vector.broadcast %parallel_loop3A_149 : f32 to vector<16xf32>
        tpu.vector_store_idx %arg12[%parallel_loop3A_153], %parallel_loop3A_154 masked %eq3A_2 : memref<20000xf32, #tpu.memory_space<vmem>>[vector<16xi32>], vector<16xf32>, vector<16xi1>
        %parallel_loop3A_155 = arith.constant 4 : i32
        %parallel_loop3A_156 = arith.muli %parallel_loop3A_89, %parallel_loop3A_155 : i32
        %parallel_loop3A_157 = arith.constant 1 : i32
        %parallel_loop3A_158 = arith.addi %parallel_loop3A_156, %parallel_loop3A_157 : i32
        %parallel_loop3A_159 = arith.constant 0.000000e+00 : bf16
        %parallel_loop3A_160 = vector.broadcast %parallel_loop3A_159 : bf16 to vector<32xbf16>
        %parallel_loop3A_161 = arith.index_cast %parallel_loop3A_158 : i32 to index
        %parallel_loop3A_162 = arith.constant 0 : index
        %parallel_loop3A_163 = tpu.vector_load %arg10[%parallel_loop3A_161, %parallel_loop3A_162] {strides = array<i32>} : memref<80x64xi32, #tpu.memory_space<vmem>>, vector<16xi32>,
        %parallel_loop3A_164 = vector.bitcast %parallel_loop3A_163 : vector<16xi32> to vector<32xbf16>
        %parallel_loop3A_165 = arith.index_cast %parallel_loop3A_158 : i32 to index
        %parallel_loop3A_166 = arith.constant 0 : index
        %parallel_loop3A_167 = tpu.vector_load %arg11[%parallel_loop3A_165, %parallel_loop3A_166] {strides = array<i32>} : memref<80x64xi32, #tpu.memory_space<vmem>>, vector<16xi32>,
        %parallel_loop3A_168 = vector.bitcast %parallel_loop3A_167 : vector<16xi32> to vector<32xbf16>
        %parallel_loop3A_169 = arith.mulf %parallel_loop3A_164, %parallel_loop3A_168 : vector<32xbf16>
        %parallel_loop3A_170 = arith.addf %parallel_loop3A_160, %parallel_loop3A_169 : vector<32xbf16>
        %parallel_loop3A_171 = arith.index_cast %parallel_loop3A_158 : i32 to index
        %parallel_loop3A_172 = arith.constant 16 : index
        %parallel_loop3A_173 = tpu.vector_load %arg10[%parallel_loop3A_171, %parallel_loop3A_172] {strides = array<i32>} : memref<80x64xi32, #tpu.memory_space<vmem>>, vector<16xi32>,
        %parallel_loop3A_174 = vector.bitcast %parallel_loop3A_173 : vector<16xi32> to vector<32xbf16>
        %parallel_loop3A_175 = arith.index_cast %parallel_loop3A_158 : i32 to index
        %parallel_loop3A_176 = arith.constant 16 : index
        %parallel_loop3A_177 = tpu.vector_load %arg11[%parallel_loop3A_175, %parallel_loop3A_176] {strides = array<i32>} : memref<80x64xi32, #tpu.memory_space<vmem>>, vector<16xi32>,
        %parallel_loop3A_178 = vector.bitcast %parallel_loop3A_177 : vector<16xi32> to vector<32xbf16>
        %parallel_loop3A_179 = arith.mulf %parallel_loop3A_174, %parallel_loop3A_178 : vector<32xbf16>
        %parallel_loop3A_180 = arith.addf %parallel_loop3A_170, %parallel_loop3A_179 : vector<32xbf16>
        %parallel_loop3A_181 = arith.index_cast %parallel_loop3A_158 : i32 to index
        %parallel_loop3A_182 = arith.constant 32 : index
        %parallel_loop3A_183 = tpu.vector_load %arg10[%parallel_loop3A_181, %parallel_loop3A_182] {strides = array<i32>} : memref<80x64xi32, #tpu.memory_space<vmem>>, vector<16xi32>,
        %parallel_loop3A_184 = vector.bitcast %parallel_loop3A_183 : vector<16xi32> to vector<32xbf16>
        %parallel_loop3A_185 = arith.index_cast %parallel_loop3A_158 : i32 to index
        %parallel_loop3A_186 = arith.constant 32 : index
        %parallel_loop3A_187 = tpu.vector_load %arg11[%parallel_loop3A_185, %parallel_loop3A_186] {strides = array<i32>} : memref<80x64xi32, #tpu.memory_space<vmem>>, vector<16xi32>,
        %parallel_loop3A_188 = vector.bitcast %parallel_loop3A_187 : vector<16xi32> to vector<32xbf16>
        %parallel_loop3A_189 = arith.mulf %parallel_loop3A_184, %parallel_loop3A_188 : vector<32xbf16>
        %parallel_loop3A_190 = arith.addf %parallel_loop3A_180, %parallel_loop3A_189 : vector<32xbf16>
        %parallel_loop3A_191 = arith.index_cast %parallel_loop3A_158 : i32 to index
        %parallel_loop3A_192 = arith.constant 48 : index
        %parallel_loop3A_193 = tpu.vector_load %arg10[%parallel_loop3A_191, %parallel_loop3A_192] {strides = array<i32>} : memref<80x64xi32, #tpu.memory_space<vmem>>, vector<16xi32>,
        %parallel_loop3A_194 = vector.bitcast %parallel_loop3A_193 : vector<16xi32> to vector<32xbf16>
        %parallel_loop3A_195 = arith.index_cast %parallel_loop3A_158 : i32 to index
        %parallel_loop3A_196 = arith.constant 48 : index
        %parallel_loop3A_197 = tpu.vector_load %arg11[%parallel_loop3A_195, %parallel_loop3A_196] {strides = array<i32>} : memref<80x64xi32, #tpu.memory_space<vmem>>, vector<16xi32>,
        %parallel_loop3A_198 = vector.bitcast %parallel_loop3A_197 : vector<16xi32> to vector<32xbf16>
        %parallel_loop3A_199 = arith.mulf %parallel_loop3A_194, %parallel_loop3A_198 : vector<32xbf16>
        %parallel_loop3A_200 = arith.addf %parallel_loop3A_190, %parallel_loop3A_199 : vector<32xbf16>
        %parallel_loop3A_201 = vector.bitcast %parallel_loop3A_200 : vector<32xbf16> to vector<16xi32>
        %parallel_loop3A_202 = arith.constant 16 : i32
        %parallel_loop3A_203 = vector.broadcast %parallel_loop3A_202 : i32 to vector<16xi32>
        %parallel_loop3A_204 = arith.shli %parallel_loop3A_201, %parallel_loop3A_203 : vector<16xi32>
        %parallel_loop3A_205 = tpu.bitcast %parallel_loop3A_204 : vector<16xi32> -> vector<16xf32>
        %parallel_loop3A_206 = arith.constant -65536 : i32
        %parallel_loop3A_207 = vector.broadcast %parallel_loop3A_206 : i32 to vector<16xi32>
        %parallel_loop3A_208 = arith.andi %parallel_loop3A_201, %parallel_loop3A_207 : vector<16xi32>
        %parallel_loop3A_209 = tpu.bitcast %parallel_loop3A_208 : vector<16xi32> -> vector<16xf32>
        %parallel_loop3A_210 = arith.addf %parallel_loop3A_205, %parallel_loop3A_209 : vector<16xf32>
        %parallel_loop3A_211 = arith.constant true
        %parallel_loop3A_212 = vector.broadcast %parallel_loop3A_211 : i1 to vector<16xi1>
        %parallel_loop3A_213 = tpu.scan <sum>, %parallel_loop3A_210 masked %parallel_loop3A_212 : vector<16xf32>, vector<16xi1> -> vector<16xf32>
        %parallel_loop3A_214 = vector.extract %parallel_loop3A_213[15] : f32 from vector<16xf32>
        %parallel_loop3A_215 = arith.constant 80 : i32
        %parallel_loop3A_216 = arith.muli %add3A_73, %parallel_loop3A_215 : i32
        %parallel_loop3A_217 = arith.addi %parallel_loop3A_216, %parallel_loop3A_158 : i32
        %parallel_loop3A_218 = vector.broadcast %parallel_loop3A_217 : i32 to vector<16xi32>
        %parallel_loop3A_219 = vector.broadcast %parallel_loop3A_214 : f32 to vector<16xf32>
        tpu.vector_store_idx %arg12[%parallel_loop3A_218], %parallel_loop3A_219 masked %eq3A_2 : memref<20000xf32, #tpu.memory_space<vmem>>[vector<16xi32>], vector<16xf32>, vector<16xi1>
        %parallel_loop3A_220 = arith.constant 4 : i32
        %parallel_loop3A_221 = arith.muli %parallel_loop3A_89, %parallel_loop3A_220 : i32
        %parallel_loop3A_222 = arith.constant 2 : i32
        %parallel_loop3A_223 = arith.addi %parallel_loop3A_221, %parallel_loop3A_222 : i32
        %parallel_loop3A_224 = arith.constant 0.000000e+00 : bf16
        %parallel_loop3A_225 = vector.broadcast %parallel_loop3A_224 : bf16 to vector<32xbf16>
        %parallel_loop3A_226 = arith.index_cast %parallel_loop3A_223 : i32 to index
        %parallel_loop3A_227 = arith.constant 0 : index
        %parallel_loop3A_228 = tpu.vector_load %arg10[%parallel_loop3A_226, %parallel_loop3A_227] {strides = array<i32>} : memref<80x64xi32, #tpu.memory_space<vmem>>, vector<16xi32>,
        %parallel_loop3A_229 = vector.bitcast %parallel_loop3A_228 : vector<16xi32> to vector<32xbf16>
        %parallel_loop3A_230 = arith.index_cast %parallel_loop3A_223 : i32 to index
        %parallel_loop3A_231 = arith.constant 0 : index
        %parallel_loop3A_232 = tpu.vector_load %arg11[%parallel_loop3A_230, %parallel_loop3A_231] {strides = array<i32>} : memref<80x64xi32, #tpu.memory_space<vmem>>, vector<16xi32>,
        %parallel_loop3A_233 = vector.bitcast %parallel_loop3A_232 : vector<16xi32> to vector<32xbf16>
        %parallel_loop3A_234 = arith.mulf %parallel_loop3A_229, %parallel_loop3A_233 : vector<32xbf16>
        %parallel_loop3A_235 = arith.addf %parallel_loop3A_225, %parallel_loop3A_234 : vector<32xbf16>
        %parallel_loop3A_236 = arith.index_cast %parallel_loop3A_223 : i32 to index
        %parallel_loop3A_237 = arith.constant 16 : index
        %parallel_loop3A_238 = tpu.vector_load %arg10[%parallel_loop3A_236, %parallel_loop3A_237] {strides = array<i32>} : memref<80x64xi32, #tpu.memory_space<vmem>>, vector<16xi32>,
        %parallel_loop3A_239 = vector.bitcast %parallel_loop3A_238 : vector<16xi32> to vector<32xbf16>
        %parallel_loop3A_240 = arith.index_cast %parallel_loop3A_223 : i32 to index
        %parallel_loop3A_241 = arith.constant 16 : index
        %parallel_loop3A_242 = tpu.vector_load %arg11[%parallel_loop3A_240, %parallel_loop3A_241] {strides = array<i32>} : memref<80x64xi32, #tpu.memory_space<vmem>>, vector<16xi32>,
        %parallel_loop3A_243 = vector.bitcast %parallel_loop3A_242 : vector<16xi32> to vector<32xbf16>
        %parallel_loop3A_244 = arith.mulf %parallel_loop3A_239, %parallel_loop3A_243 : vector<32xbf16>
        %parallel_loop3A_245 = arith.addf %parallel_loop3A_235, %parallel_loop3A_244 : vector<32xbf16>
        %parallel_loop3A_246 = arith.index_cast %parallel_loop3A_223 : i32 to index
        %parallel_loop3A_247 = arith.constant 32 : index
        %parallel_loop3A_248 = tpu.vector_load %arg10[%parallel_loop3A_246, %parallel_loop3A_247] {strides = array<i32>} : memref<80x64xi32, #tpu.memory_space<vmem>>, vector<16xi32>,
        %parallel_loop3A_249 = vector.bitcast %parallel_loop3A_248 : vector<16xi32> to vector<32xbf16>
        %parallel_loop3A_250 = arith.index_cast %parallel_loop3A_223 : i32 to index
        %parallel_loop3A_251 = arith.constant 32 : index
        %parallel_loop3A_252 = tpu.vector_load %arg11[%parallel_loop3A_250, %parallel_loop3A_251] {strides = array<i32>} : memref<80x64xi32, #tpu.memory_space<vmem>>, vector<16xi32>,
        %parallel_loop3A_253 = vector.bitcast %parallel_loop3A_252 : vector<16xi32> to vector<32xbf16>
        %parallel_loop3A_254 = arith.mulf %parallel_loop3A_249, %parallel_loop3A_253 : vector<32xbf16>
        %parallel_loop3A_255 = arith.addf %parallel_loop3A_245, %parallel_loop3A_254 : vector<32xbf16>
        %parallel_loop3A_256 = arith.index_cast %parallel_loop3A_223 : i32 to index
        %parallel_loop3A_257 = arith.constant 48 : index
        %parallel_loop3A_258 = tpu.vector_load %arg10[%parallel_loop3A_256, %parallel_loop3A_257] {strides = array<i32>} : memref<80x64xi32, #tpu.memory_space<vmem>>, vector<16xi32>,
        %parallel_loop3A_259 = vector.bitcast %parallel_loop3A_258 : vector<16xi32> to vector<32xbf16>
        %parallel_loop3A_260 = arith.index_cast %parallel_loop3A_223 : i32 to index
        %parallel_loop3A_261 = arith.constant 48 : index
        %parallel_loop3A_262 = tpu.vector_load %arg11[%parallel_loop3A_260, %parallel_loop3A_261] {strides = array<i32>} : memref<80x64xi32, #tpu.memory_space<vmem>>, vector<16xi32>,
        %parallel_loop3A_263 = vector.bitcast %parallel_loop3A_262 : vector<16xi32> to vector<32xbf16>
        %parallel_loop3A_264 = arith.mulf %parallel_loop3A_259, %parallel_loop3A_263 : vector<32xbf16>
        %parallel_loop3A_265 = arith.addf %parallel_loop3A_255, %parallel_loop3A_264 : vector<32xbf16>
        %parallel_loop3A_266 = vector.bitcast %parallel_loop3A_265 : vector<32xbf16> to vector<16xi32>
        %parallel_loop3A_267 = arith.constant 16 : i32
        %parallel_loop3A_268 = vector.broadcast %parallel_loop3A_267 : i32 to vector<16xi32>
        %parallel_loop3A_269 = arith.shli %parallel_loop3A_266, %parallel_loop3A_268 : vector<16xi32>
        %parallel_loop3A_270 = tpu.bitcast %parallel_loop3A_269 : vector<16xi32> -> vector<16xf32>
        %parallel_loop3A_271 = arith.constant -65536 : i32
        %parallel_loop3A_272 = vector.broadcast %parallel_loop3A_271 : i32 to vector<16xi32>
        %parallel_loop3A_273 = arith.andi %parallel_loop3A_266, %parallel_loop3A_272 : vector<16xi32>
        %parallel_loop3A_274 = tpu.bitcast %parallel_loop3A_273 : vector<16xi32> -> vector<16xf32>
        %parallel_loop3A_275 = arith.addf %parallel_loop3A_270, %parallel_loop3A_274 : vector<16xf32>
        %parallel_loop3A_276 = arith.constant true
        %parallel_loop3A_277 = vector.broadcast %parallel_loop3A_276 : i1 to vector<16xi1>
        %parallel_loop3A_278 = tpu.scan <sum>, %parallel_loop3A_275 masked %parallel_loop3A_277 : vector<16xf32>, vector<16xi1> -> vector<16xf32>
        %parallel_loop3A_279 = vector.extract %parallel_loop3A_278[15] : f32 from vector<16xf32>
        %parallel_loop3A_280 = arith.constant 80 : i32
        %parallel_loop3A_281 = arith.muli %add3A_73, %parallel_loop3A_280 : i32
        %parallel_loop3A_282 = arith.addi %parallel_loop3A_281, %parallel_loop3A_223 : i32
        %parallel_loop3A_283 = vector.broadcast %parallel_loop3A_282 : i32 to vector<16xi32>
        %parallel_loop3A_284 = vector.broadcast %parallel_loop3A_279 : f32 to vector<16xf32>
        tpu.vector_store_idx %arg12[%parallel_loop3A_283], %parallel_loop3A_284 masked %eq3A_2 : memref<20000xf32, #tpu.memory_space<vmem>>[vector<16xi32>], vector<16xf32>, vector<16xi1>
        %parallel_loop3A_285 = arith.constant 4 : i32
        %parallel_loop3A_286 = arith.muli %parallel_loop3A_89, %parallel_loop3A_285 : i32
        %parallel_loop3A_287 = arith.constant 3 : i32
        %parallel_loop3A_288 = arith.addi %parallel_loop3A_286, %parallel_loop3A_287 : i32
        %parallel_loop3A_289 = arith.constant 0.000000e+00 : bf16
        %parallel_loop3A_290 = vector.broadcast %parallel_loop3A_289 : bf16 to vector<32xbf16>
        %parallel_loop3A_291 = arith.index_cast %parallel_loop3A_288 : i32 to index
        %parallel_loop3A_292 = arith.constant 0 : index
        %parallel_loop3A_293 = tpu.vector_load %arg10[%parallel_loop3A_291, %parallel_loop3A_292] {strides = array<i32>} : memref<80x64xi32, #tpu.memory_space<vmem>>, vector<16xi32>,
        %parallel_loop3A_294 = vector.bitcast %parallel_loop3A_293 : vector<16xi32> to vector<32xbf16>
        %parallel_loop3A_295 = arith.index_cast %parallel_loop3A_288 : i32 to index
        %parallel_loop3A_296 = arith.constant 0 : index
        %parallel_loop3A_297 = tpu.vector_load %arg11[%parallel_loop3A_295, %parallel_loop3A_296] {strides = array<i32>} : memref<80x64xi32, #tpu.memory_space<vmem>>, vector<16xi32>,
        %parallel_loop3A_298 = vector.bitcast %parallel_loop3A_297 : vector<16xi32> to vector<32xbf16>
        %parallel_loop3A_299 = arith.mulf %parallel_loop3A_294, %parallel_loop3A_298 : vector<32xbf16>
        %parallel_loop3A_300 = arith.addf %parallel_loop3A_290, %parallel_loop3A_299 : vector<32xbf16>
        %parallel_loop3A_301 = arith.index_cast %parallel_loop3A_288 : i32 to index
        %parallel_loop3A_302 = arith.constant 16 : index
        %parallel_loop3A_303 = tpu.vector_load %arg10[%parallel_loop3A_301, %parallel_loop3A_302] {strides = array<i32>} : memref<80x64xi32, #tpu.memory_space<vmem>>, vector<16xi32>,
        %parallel_loop3A_304 = vector.bitcast %parallel_loop3A_303 : vector<16xi32> to vector<32xbf16>
        %parallel_loop3A_305 = arith.index_cast %parallel_loop3A_288 : i32 to index
        %parallel_loop3A_306 = arith.constant 16 : index
        %parallel_loop3A_307 = tpu.vector_load %arg11[%parallel_loop3A_305, %parallel_loop3A_306] {strides = array<i32>} : memref<80x64xi32, #tpu.memory_space<vmem>>, vector<16xi32>,
        %parallel_loop3A_308 = vector.bitcast %parallel_loop3A_307 : vector<16xi32> to vector<32xbf16>
        %parallel_loop3A_309 = arith.mulf %parallel_loop3A_304, %parallel_loop3A_308 : vector<32xbf16>
        %parallel_loop3A_310 = arith.addf %parallel_loop3A_300, %parallel_loop3A_309 : vector<32xbf16>
        %parallel_loop3A_311 = arith.index_cast %parallel_loop3A_288 : i32 to index
        %parallel_loop3A_312 = arith.constant 32 : index
        %parallel_loop3A_313 = tpu.vector_load %arg10[%parallel_loop3A_311, %parallel_loop3A_312] {strides = array<i32>} : memref<80x64xi32, #tpu.memory_space<vmem>>, vector<16xi32>,
        %parallel_loop3A_314 = vector.bitcast %parallel_loop3A_313 : vector<16xi32> to vector<32xbf16>
        %parallel_loop3A_315 = arith.index_cast %parallel_loop3A_288 : i32 to index
        %parallel_loop3A_316 = arith.constant 32 : index
        %parallel_loop3A_317 = tpu.vector_load %arg11[%parallel_loop3A_315, %parallel_loop3A_316] {strides = array<i32>} : memref<80x64xi32, #tpu.memory_space<vmem>>, vector<16xi32>,
        %parallel_loop3A_318 = vector.bitcast %parallel_loop3A_317 : vector<16xi32> to vector<32xbf16>
        %parallel_loop3A_319 = arith.mulf %parallel_loop3A_314, %parallel_loop3A_318 : vector<32xbf16>
        %parallel_loop3A_320 = arith.addf %parallel_loop3A_310, %parallel_loop3A_319 : vector<32xbf16>
        %parallel_loop3A_321 = arith.index_cast %parallel_loop3A_288 : i32 to index
        %parallel_loop3A_322 = arith.constant 48 : index
        %parallel_loop3A_323 = tpu.vector_load %arg10[%parallel_loop3A_321, %parallel_loop3A_322] {strides = array<i32>} : memref<80x64xi32, #tpu.memory_space<vmem>>, vector<16xi32>,
        %parallel_loop3A_324 = vector.bitcast %parallel_loop3A_323 : vector<16xi32> to vector<32xbf16>
        %parallel_loop3A_325 = arith.index_cast %parallel_loop3A_288 : i32 to index
        %parallel_loop3A_326 = arith.constant 48 : index
        %parallel_loop3A_327 = tpu.vector_load %arg11[%parallel_loop3A_325, %parallel_loop3A_326] {strides = array<i32>} : memref<80x64xi32, #tpu.memory_space<vmem>>, vector<16xi32>,
        %parallel_loop3A_328 = vector.bitcast %parallel_loop3A_327 : vector<16xi32> to vector<32xbf16>
        %parallel_loop3A_329 = arith.mulf %parallel_loop3A_324, %parallel_loop3A_328 : vector<32xbf16>
        %parallel_loop3A_330 = arith.addf %parallel_loop3A_320, %parallel_loop3A_329 : vector<32xbf16>
        %parallel_loop3A_331 = vector.bitcast %parallel_loop3A_330 : vector<32xbf16> to vector<16xi32>
        %parallel_loop3A_332 = arith.constant 16 : i32
        %parallel_loop3A_333 = vector.broadcast %parallel_loop3A_332 : i32 to vector<16xi32>
        %parallel_loop3A_334 = arith.shli %parallel_loop3A_331, %parallel_loop3A_333 : vector<16xi32>
        %parallel_loop3A_335 = tpu.bitcast %parallel_loop3A_334 : vector<16xi32> -> vector<16xf32>
        %parallel_loop3A_336 = arith.constant -65536 : i32
        %parallel_loop3A_337 = vector.broadcast %parallel_loop3A_336 : i32 to vector<16xi32>
        %parallel_loop3A_338 = arith.andi %parallel_loop3A_331, %parallel_loop3A_337 : vector<16xi32>
        %parallel_loop3A_339 = tpu.bitcast %parallel_loop3A_338 : vector<16xi32> -> vector<16xf32>
        %parallel_loop3A_340 = arith.addf %parallel_loop3A_335, %parallel_loop3A_339 : vector<16xf32>
        %parallel_loop3A_341 = arith.constant true
        %parallel_loop3A_342 = vector.broadcast %parallel_loop3A_341 : i1 to vector<16xi1>
        %parallel_loop3A_343 = tpu.scan <sum>, %parallel_loop3A_340 masked %parallel_loop3A_342 : vector<16xf32>, vector<16xi1> -> vector<16xf32>
        %parallel_loop3A_344 = vector.extract %parallel_loop3A_343[15] : f32 from vector<16xf32>
        %parallel_loop3A_345 = arith.constant 80 : i32
        %parallel_loop3A_346 = arith.muli %add3A_73, %parallel_loop3A_345 : i32
        %parallel_loop3A_347 = arith.addi %parallel_loop3A_346, %parallel_loop3A_288 : i32
        %parallel_loop3A_348 = vector.broadcast %parallel_loop3A_347 : i32 to vector<16xi32>
        %parallel_loop3A_349 = vector.broadcast %parallel_loop3A_344 : f32 to vector<16xf32>
        tpu.vector_store_idx %arg12[%parallel_loop3A_348], %parallel_loop3A_349 masked %eq3A_2 : memref<20000xf32, #tpu.memory_space<vmem>>[vector<16xi32>], vector<16xf32>, vector<16xi1>
      } {sc.loop_unroll_factor = 2 : i64, sc.parallel_access}
    }
    %scan3A_27 = arith.constant 125 : i32
    %mul3A_28 = arith.constant 10000 : i32
    %mul3A_29 = arith.muli %add3A, %mul3A_28 : i32
    "tpu.region"() ({
      %run_scoped3A_34 = tpu.sem_alloc : memref<!tpu.dma_semaphore, #tpu.memory_space<semaphore_mem>>
      %dma_start3A_35 = arith.constant 0 : i32
      %dma_start3A_36 = tpu.memref_slice %arg12[%dma_start3A_35] : memref<20000xf32, #tpu.memory_space<vmem>> -> memref<10000xf32, #tpu.memory_space<vmem>>
      %dma_start3A_37 = tpu.memref_slice %arg5[%mul3A_29] : memref<640000xf32, #tpu.memory_space<hbm>> -> memref<10000xf32, #tpu.memory_space<hbm>>
      %dma_start3A_38 = tpu.memref_slice %arg5[%mul3A_29] : memref<640000xf32, #tpu.memory_space<hbm>> -> memref<10000xf32, #tpu.memory_space<hbm>>
      %dma_start3A_39 = arith.constant 0 : i32
      %dma_start3A_40 = tpu.memref_slice %arg12[%dma_start3A_39] : memref<20000xf32, #tpu.memory_space<vmem>> -> memref<10000xf32, #tpu.memory_space<vmem>>
      tpu.enqueue_dma source(%dma_start3A_40 : memref<10000xf32, #tpu.memory_space<vmem>>) target(%dma_start3A_38 : memref<10000xf32, #tpu.memory_space<hbm>>) target_semaphore(%run_scoped3A_34 : memref<!tpu.dma_semaphore, #tpu.memory_space<semaphore_mem>>)
      %dma_wait3A = arith.constant 0 : i32
      %dma_wait3A_41 = tpu.memref_slice %arg12[%dma_wait3A] : memref<20000xf32, #tpu.memory_space<vmem>> -> memref<10000xf32, #tpu.memory_space<vmem>>
      %dma_wait3A_42 = tpu.memref_slice %arg5[%mul3A_29] : memref<640000xf32, #tpu.memory_space<hbm>> -> memref<10000xf32, #tpu.memory_space<hbm>>
      %dma_wait3A_43 = tpu.memref_slice %arg5[%mul3A_29] : memref<640000xf32, #tpu.memory_space<hbm>> -> memref<10000xf32, #tpu.memory_space<hbm>>
      %dma_wait3A_44 = arith.constant 0 : i32
      %dma_wait3A_45 = tpu.memref_slice %arg12[%dma_wait3A_44] : memref<20000xf32, #tpu.memory_space<vmem>> -> memref<10000xf32, #tpu.memory_space<vmem>>
      tpu.wait_dma2 semaphore(%run_scoped3A_34 : memref<!tpu.dma_semaphore, #tpu.memory_space<semaphore_mem>>) src(%dma_wait3A_45 : memref<10000xf32, #tpu.memory_space<vmem>>) dst(%dma_wait3A_43 : memref<10000xf32, #tpu.memory_space<hbm>>)
      tpu.yield
    }) : () -> ()
    %mul3A_30 = arith.constant 10000 : i32
    %mul3A_31 = arith.muli %add3A, %mul3A_30 : i32
    %add3A_32 = arith.constant 320000 : i32
    %add3A_33 = arith.addi %add3A_32, %mul3A_31 : i32
    "tpu.region"() ({
      %run_scoped3A_34 = tpu.sem_alloc : memref<!tpu.dma_semaphore, #tpu.memory_space<semaphore_mem>>
      %dma_start3A_35 = arith.constant 10000 : i32
      %dma_start3A_36 = tpu.memref_slice %arg12[%dma_start3A_35] : memref<20000xf32, #tpu.memory_space<vmem>> -> memref<10000xf32, #tpu.memory_space<vmem>>
      %dma_start3A_37 = tpu.memref_slice %arg5[%add3A_33] : memref<640000xf32, #tpu.memory_space<hbm>> -> memref<10000xf32, #tpu.memory_space<hbm>>
      %dma_start3A_38 = tpu.memref_slice %arg5[%add3A_33] : memref<640000xf32, #tpu.memory_space<hbm>> -> memref<10000xf32, #tpu.memory_space<hbm>>
      %dma_start3A_39 = arith.constant 10000 : i32
      %dma_start3A_40 = tpu.memref_slice %arg12[%dma_start3A_39] : memref<20000xf32, #tpu.memory_space<vmem>> -> memref<10000xf32, #tpu.memory_space<vmem>>
      tpu.enqueue_dma source(%dma_start3A_40 : memref<10000xf32, #tpu.memory_space<vmem>>) target(%dma_start3A_38 : memref<10000xf32, #tpu.memory_space<hbm>>) target_semaphore(%run_scoped3A_34 : memref<!tpu.dma_semaphore, #tpu.memory_space<semaphore_mem>>)
      %dma_wait3A = arith.constant 10000 : i32
      %dma_wait3A_41 = tpu.memref_slice %arg12[%dma_wait3A] : memref<20000xf32, #tpu.memory_space<vmem>> -> memref<10000xf32, #tpu.memory_space<vmem>>
      %dma_wait3A_42 = tpu.memref_slice %arg5[%add3A_33] : memref<640000xf32, #tpu.memory_space<hbm>> -> memref<10000xf32, #tpu.memory_space<hbm>>
      %dma_wait3A_43 = tpu.memref_slice %arg5[%add3A_33] : memref<640000xf32, #tpu.memory_space<hbm>> -> memref<10000xf32, #tpu.memory_space<hbm>>
      %dma_wait3A_44 = arith.constant 10000 : i32
      %dma_wait3A_45 = tpu.memref_slice %arg12[%dma_wait3A_44] : memref<20000xf32, #tpu.memory_space<vmem>> -> memref<10000xf32, #tpu.memory_space<vmem>>
      tpu.wait_dma2 semaphore(%run_scoped3A_34 : memref<!tpu.dma_semaphore, #tpu.memory_space<semaphore_mem>>) src(%dma_wait3A_45 : memref<10000xf32, #tpu.memory_space<vmem>>) dst(%dma_wait3A_43 : memref<10000xf32, #tpu.memory_space<hbm>>)
      tpu.yield
    }) : () -> ()
    return
  }
}

module attributes {stable_mosaic.version = 14 : i64} {
  func.func @_ce_loss_body(%arg0: memref<5000x128xf32, #tpu.memory_space<vmem>>, %arg1: memref<1x1xf32, #tpu.memory_space<smem>>) attributes {dimension_semantics = [], scalar_prefetch = 0 : i64, scratch_operands = 0 : i64, tpu.core_type = #tpu.core_type<tc>} {
    %get3A = arith.constant 0 : index
    %get3A_0 = arith.constant 0 : index
    %get3A_1 = vector.load %arg0[%get3A, %get3A_0] : memref<5000x128xf32, #tpu.memory_space<vmem>>, vector<5000x128xf32>
    %iota3A = tpu.iota {dimensions = array<i32: 0>} : vector<5000x128xi32>
    %lt3A = arith.constant 2500 : i32
    %lt3A_2 = vector.broadcast %lt3A : i32 to vector<5000x128xi32>
    %lt3A_3 = arith.cmpi slt, %iota3A, %lt3A_2 : vector<5000x128xi32>
    %convert_element_type3A = arith.extui %lt3A_3 : vector<5000x128xi1> to vector<5000x128xi32>
    %convert_element_type3A_4 = arith.sitofp %convert_element_type3A : vector<5000x128xi32> to vector<5000x128xf32>
    %sub3A = arith.subf %get3A_1, %get3A_1 : vector<5000x128xf32>
    %exp3A = math.exp %sub3A : vector<5000x128xf32>
    %log3A = math.log %exp3A : vector<5000x128xf32>
    %sub3A_5 = arith.subf %sub3A, %log3A : vector<5000x128xf32>
    %mul3A = arith.mulf %convert_element_type3A_4, %sub3A_5 : vector<5000x128xf32>
    %reduce_sum3A = vector.shape_cast %mul3A : vector<5000x128xf32> to vector<1x5000x128xf32>
    %reduce_sum3A_6 = arith.constant dense<0.000000e+00> : vector<1xf32>
    %reduce_sum3A_7 = vector.multi_reduction <add>, %reduce_sum3A, %reduce_sum3A_6 [1, 2] : vector<1x5000x128xf32> to vector<1xf32>
    %reduce_sum3A_8 = vector.shape_cast %reduce_sum3A_7 : vector<1xf32> to vector<1x1x1xf32>
    %reduce_sum3A_9 = vector.extract %reduce_sum3A_8[0, 0, 0] : f32 from vector<1x1x1xf32>
    %neg3A = arith.constant 0.000000e+00 : f32
    %neg3A_10 = arith.subf %neg3A, %reduce_sum3A_9 : f32
    %div3A = arith.constant 6.400000e+05 : f32
    %div3A_11 = arith.divf %neg3A_10, %div3A : f32
    %swap3A = arith.constant 0 : index
    %swap3A_12 = arith.constant 0 : index
    %swap3A_13 = memref.load %arg1[%swap3A, %swap3A_12] : memref<1x1xf32, #tpu.memory_space<smem>>
    memref.store %div3A_11, %arg1[%swap3A, %swap3A_12] : memref<1x1xf32, #tpu.memory_space<smem>>
    return
  }
}

</mosaic_0001>

<sc_bundles>
// kernel: kernel.4.cloned.1.call-start
scs
__scs_entry_jumppad:
0x0: {  	(pc) =	sbr.rel $0x88, $3  }
0x1: {  	(tag) =	ssettag $0x0;
	lr =	simm.s32 $0x1  }
0x2: {  	[smem:$0x3F9E] =	sst lr;
	_ =	strace $0xD0000000  }
0x3: {  	_ = 	snop  }
0x4: {  	_ = 	snop  }
0x5: {  	_ = 	snop  }
0x6: {  	_ = 	snop  }
0x7: {  	_ = 	snop  }
__scs_overlays_trampoline_lowered:
0x8: {  	[smem:$0x3FAD] =	sst s0  }
0x9: {  	[smem:$0x3FAE] =	sst s1  }
0xa: {  	[smem:$0x3FAF] =	sst s2  }
0xb: {  	[smem:$0x3FB0] =	sst s3  }
0xc: {  	[smem:$0x3FB1] =	sst s4  }
0xd: {  	[smem:$0x3FB2] =	sst s5  }
0xe: {  	[smem:$0x3FB3] =	sst s6  }
0xf: {  	[smem:$0x3FB4] =	sst s7  }
0x10: {  	[smem:$0x3FB5] =	sst s8  }
0x11: {  	[smem:$0x3FB6] =	sst s9;
	s0 =	simm.s32 @!p0 $0x0  }
0x12: {  	s1 =	sld [smem:$0x3F9C];
	s0 =	simm.s32 @p0 $0x1  }
0x13: {  	[smem:$0x3FB7] =	sst s0;
	s0 =	simm.s32 @!p1 $0x0  }
0x14: {  	s2 =	sld [smem:$0x3F9B];
	s0 =	simm.s32 @p1 $0x1  }
0x15: {  	[smem:$0x3FB8] =	sst s0;
	s0 =	simm.s32 @!p2 $0x0  }
0x16: {  	s3 =	sld [smem:$0x3FDB];
	s0 =	simm.s32 @p2 $0x1  }
0x17: {  	s4 =	simm.s32 $0x1BF5;
	[smem:$0x3FBA] =	sst s0  }
0x18: {  	s0 =	sld [smem:$0x3F9D];
	_ =	swait.ge [sflag:s4], $0x0  }
0x19: {  	s7 =	sld [smem:$0x3F9E]  }
0x1a: {  	s8 =	sadd.s32 $0xFFFFE003, lr  }
0x1b: {  	s9 =	sadd.s32 $0xFFFFFEF7, lr;
	s5 =	simm.s32 $0xFFFFFFFF;
	p2 =	slt.u32 s8, $0xFFFFF086  }
0x1c: {  	p1 =	slt.u32 s9, $0xF7A;
	s5 =	simm.s32 @!p2 $0x0  }
0x1d: {  	s5 =	simm.s32 @p1 $0x1;
	p0 =	seq.s32 s7, s2  }
0x1e: {  	s7 =	smul.u32 @!p0 $0xF7A, s2;
	p2 =	seq.s32 @!p0 s5, $0x0  }
0x1f: {  	s9 =	smul.u32 $0xF7A, s1;
	s8 =	simm.s32 @!p0 $0x1BF5;
	p2 =	por !p2, p0  }
0x20: {  	[sflag:s8] =	ssyncset.s32 @!p0 $0xFFFFF086;
	s6 =	sadd.s32 @!p0 s3, s7;
	s7 =	simm.s32 @!p0 $0x108  }
0x21: {  	s3 =	sadd.s32 s3, s9;
	s6 =	sadd.s32 @!p0 $0x88, s6;
	s7 =	simm.s32 @p2 $0x1082  }
0x22: {  	[simem:s7], [sflag:s8] =	dma.local @!p0 [hbm:s6], $0xF7A  }
0x23: {  	s9 =	sor.u32 $0xD0000000, s2;
	s6 =	simm.s32 $0x108;
	_ =	swait.ge @!p0 [sflag:s8], $0x0  }
0x24: {  	s3 =	sadd.s32 $0x88, s3;
	s6 =	simm.s32 @!p1 $0x1082;
	[sflag:s4] =	ssyncset.s32 $0xFFFFF086  }
0x25: {  	[simem:s6], [sflag:s4] =	dma.local [hbm:s3], $0xF7A  }
0x26: {  	[smem:$0x3F9E] =	sst s1;
	(tag) =	ssettag s2;
	_ =	strace s9  }
0x27: {  	s1 =	sld [smem:$0x3FAE]  }
0x28: {  	s2 =	sld [smem:$0x3FAF]  }
0x29: {  	s4 =	sld [smem:$0x3FB1]  }
0x2a: {  	p0 =	seq.s32 s5, $0x0;
	s5 =	sld [smem:$0x3FB2]  }
0x2b: {  	s6 =	sld [smem:$0x3FB3]  }
0x2c: {  	s7 =	sld [smem:$0x3FB4]  }
0x2d: {  	s3 =	simm.s32 $0x108;
	s8 =	sld [smem:$0x3FB5]  }
0x2e: {  	s3 =	simm.s32 @!p0 $0x1082;
	s9 =	sld [smem:$0x3FB6]  }
0x2f: {  	lr =	sadd.s32 s0, s3;
	s0 =	sld [smem:$0x3FAD]  }
0x30: {  	s3 =	sld [smem:$0x3FB0]  }
0x31: {  	[smem:$0x3FB9] =	sst s10  }
0x32: {  	s10 =	sld [smem:$0x3FB7];
	_ =	sdelay $0x3  }
0x33: {  	p0 =	seq.s32 s10, $0x1;
	s10 =	sld [smem:$0x3FB9];
	_ =	sdelay $0x3  }
0x34: {  	[smem:$0x3FB9] =	sst s10  }
0x35: {  	s10 =	sld [smem:$0x3FB8];
	_ =	sdelay $0x3  }
0x36: {  	p1 =	seq.s32 s10, $0x1;
	s10 =	sld [smem:$0x3FB9];
	_ =	sdelay $0x3  }
0x37: {  	[smem:$0x3FB9] =	sst s10  }
0x38: {  	s10 =	sld [smem:$0x3FBA]  }
0x39: {  	_ = 	snop;
	(pc) =	sbr.ind lr, $3  }
0x3a: {  	_ = 	snop  }
0x3b: {  	_ = 	snop  }
0x3c: {  	p2 =	seq.s32 s10, $0x1;
	s10 =	sld [smem:$0x3FB9]  }
0x3d: {  	_ =	shalt  }
0x3e: {  	_ =	shalt  }
0x3f: {  	_ =	shalt  }
0x40: {  	_ =	shalt  }
0x41: {  	_ =	shalt  }
0x42: {  	_ =	shalt  }
0x43: {  	_ =	shalt  }
0x44: {  	_ =	shalt  }
0x45: {  	_ =	shalt  }
0x46: {  	_ =	shalt  }
0x47: {  	_ =	shalt  }
0x48: {  	_ =	shalt  }
0x49: {  	_ =	shalt  }
0x4a: {  	_ =	shalt  }
0x4b: {  	_ =	shalt  }
0x4c: {  	_ =	shalt  }
0x4d: {  	_ =	shalt  }
0x4e: {  	_ =	shalt  }
0x4f: {  	_ =	shalt  }
0x50: {  	_ =	shalt  }
0x51: {  	_ =	shalt  }
0x52: {  	_ =	shalt  }
0x53: {  	_ =	shalt  }
0x54: {  	_ =	shalt  }
0x55: {  	_ =	shalt  }
0x56: {  	_ =	shalt  }
0x57: {  	_ =	shalt  }
0x58: {  	_ =	shalt  }
0x59: {  	_ =	shalt  }
0x5a: {  	_ =	shalt  }
0x5b: {  	_ =	shalt  }
0x5c: {  	_ =	shalt  }
0x5d: {  	_ =	shalt  }
0x5e: {  	_ =	shalt  }
0x5f: {  	_ =	shalt  }
0x60: {  	_ =	shalt  }
0x61: {  	_ =	shalt  }
0x62: {  	_ =	shalt  }
0x63: {  	_ =	shalt  }
0x64: {  	_ =	shalt  }
0x65: {  	_ =	shalt  }
0x66: {  	_ =	shalt  }
0x67: {  	_ =	shalt  }
0x68: {  	_ =	shalt  }
0x69: {  	_ =	shalt  }
0x6a: {  	_ =	shalt  }
0x6b: {  	_ =	shalt  }
0x6c: {  	_ =	shalt  }
0x6d: {  	_ =	shalt  }
0x6e: {  	_ =	shalt  }
0x6f: {  	_ =	shalt  }
0x70: {  	_ =	shalt  }
0x71: {  	_ =	shalt  }
0x72: {  	_ =	shalt  }
0x73: {  	_ =	shalt  }
0x74: {  	_ =	shalt  }
0x75: {  	_ =	shalt  }
0x76: {  	_ =	shalt  }
0x77: {  	_ =	shalt  }
0x78: {  	_ =	shalt  }
0x79: {  	_ =	shalt  }
0x7a: {  	_ =	shalt  }
0x7b: {  	_ =	shalt  }
0x7c: {  	_ =	shalt  }
0x7d: {  	_ =	shalt  }
0x7e: {  	_ =	shalt  }
0x7f: {  	_ =	shalt  }
0x80: {  	_ =	shalt  }
0x81: {  	_ =	shalt  }
0x82: {  	_ =	shalt  }
0x83: {  	_ =	shalt  }
0x84: {  	_ =	shalt  }
0x85: {  	_ =	shalt  }
0x86: {  	_ =	shalt  }
0x87: {  	_ =	shalt  }
.Lfunc_end0:
.L_simem_size_0:
called_computation_lowered:
.L_overlay_start_0:
0x88: {  	s2 =	sld [smem:$0x3FD9]  }
0x89: {  	s3 =	sld [smem:$0x3FFE];
	_ =	sdelay $0x1  }
0x8a: {  	s1 =	srdreg.scid  }
0x8b: {  	s0 =	sand.u32 $0x1, s1  }
0x8c: {  	s16 =	sshll.u32 s0, $0xA;
	s2 =	sadd.s32 s3, s2  }
0x8d: {  	s2 =	sadd.s32 s2, s16  }
0x8e: {  	[smem:$0x3FC5] =	sst s2  }
0x8f: {  	_ = 	snop  }
0x90: {  	(tm) =	ssettm $0x1  }
0x91: {  	s17 =	sld [smem:$0x3FFB];
	_ =	sdelay $0x3  }
0x92: {  	_ =	strace s17  }
0x93: {  	s2 =	sld [smem:$0x3FFC];
	_ =	sdelay $0x3  }
0x94: {  	_ =	strace s2  }
0x95: {  	s2 =	sld [smem:$0x3FFD];
	_ =	sdelay $0x3  }
0x96: {  	_ =	strace s2  }
0x97: {  	_ =	strace $0x8FFFFFFF  }
0x98: {  	s18 =	sld [smem:$0x3FDB];
	_ =	sdelay $0x1  }
0x99: {  	s19 =	simm.s32 $_scs_section_size  }
0x9a: {  	s4 =	simm.s32 $_size__tile_overlayer_lowered;
	s5 =	simm.s32 $_tile_overlayer_lowered  }
0x9b: {  	s22 =	simm.s32 $0x1BFF;
	s21 =	sshll.u32 s5, $0x1;
	s2 =	sadd.s32 s19, s18  }
0x9c: {  	s6 =	simm.s32 $0x0;
	s20 =	sshll.u32 s4, $0x1;
	s4 =	sadd.s32 s21, s2  }
0x9d: {  	[timem:s6], [sflag:s22] =	dma.local [hbm:s4], s20  }
0x9e: {  	_ =	swait.ge [sflag:s22], s20  }
0x9f: {  	s3 =	ssub.s32 $0x0, s20;
	[sflag:s22] =	ssyncset.done $0x0  }
0xa0: {  	[sflag:s22] =	ssyncadd.s32 s3;
	_ =	sdelay $0x1  }
0xa1: {  	s23 =	simm.s32 $0x1B8B  }
0xa2: {  	_ =	swait.ge [sflag:s23], $0x1  }
0xa3: {  	[sflag:s23] =	ssyncset.done $0x0  }
0xa4: {  	s25 =	simm.s32 $0x1B8E;
	s24 =	sld [smem:$0x3FFE];
	[sflag:s23] =	ssyncadd.s32 $0xFFFFFFFF  }
0xa5: {  	s26 =	simm.s32 $execute0_lowered;
	[smem:$0x3FD2] =	sst s25  }
0xa6: {  	s4 =	sshll.u32 s26, $0x1;
	_ =	strace $0x80000046;
	[dreg:$0x1] =	wrdreg $0xFFFFFFFF  }
0xa7: {  	s28 =	simm.s32 $_size_execute0_lowered;
	s2 =	sadd.s32 s2, s4;
	[dreg:$0x0] =	wrdreg $0x0  }
0xa8: {  	s4 =	sshll.u32 s28, $0x1;
	[dreg:$0x2] =	wrdreg s2  }
0xa9: {  	[dreg:$0x3] =	wrdreg s4  }
0xaa: {  	[dreg:$0x4] =	wrdreg $0xC0  }
0xab: {  	_ =	task [dreg:s6], $0x5FFFF  }
0xac: {  	[dreg:$0x1] =	wrdreg $0xFFFFFFFF  }
0xad: {  	[dreg:$0x0] =	wrdreg $0x60  }
0xae: {  	[dreg:$0x2] =	wrdreg s24  }
0xaf: {  	[dreg:$0x3] =	wrdreg $0x9  }
0xb0: {  	_ =	task.clear_ibuf [dreg:s6], $0x4FFFF;
	_ =	strace $0x90000046  }
0xb1: {  	s29 =	simm.s32 $0x9;
	_ =	strace $0x80000048  }
0xb2: {  	_ =	swait.ge [sflag:s29], $0x1  }
0xb3: {  	[sflag:s29] =	ssyncadd.s32 $0xFFFFFFFF  }
0xb4: {  	_ =	strace $0x90000048  }
0xb5: {  	_ =	sfence  }
0xb6: {  	s30 =	sld [smem:$0x0];
	_ =	sdelay $0x2  }
0xb7: {  	s31 =	sshll.u32 s1, $0xD;
	s1 =	sshrl.u32 s1, $0x2  }
0xb8: {  	s3 =	sand.u32 $0x4000, s31;
	s1 =	sadd.s32 s1, s30  }
0xb9: {  	s0 =	sor.u32 s3, s0;
	s1 =	sshll.u32 s1, $0x11  }
0xba: {  	s0 =	sor.u32 s1, s0  }
0xbb: {  	s0 =	sadd.s32 $0x8F2B, s0  }
0xbc: {  	[sflag:s0] =	ssyncadd.remote.s32 $0x1  }
0xbd: {  	_ =	sfence.sel $0xFFFF  }
0xbe: {  	[dreg:$0x0] =	wrdreg $0xFFFFFFFF;
	(pc) =	sbr.abs _section_cstart, $3  }
0xbf: {  	[dreg:$0x1] =	wrdreg $0xFFFFFFFF  }
0xc0: {  	_ =	task.clear_ibuf [dreg:s6], $0x2FFFF;
	_ =	strace $0x9FFFFFFF  }
0xc1: {  	(tm) =	ssettm $0x7FFFFFFF  }
tec
execute0_lowered:
.L_overlay_start_1:
0x0: {  	(tag) =	ssettag $0x1  }
0x1: {  	s0 =	rddreg [dreg:$0x0]  }
0x2: {  	s1 =	srdreg.scid;
	s3 =	stileid.u32;
	s2 =	simm.s32 $0x0  }
0x3: {  	s11 =	simm.s32 $0x3;
	s15 =	simm.s32 $0x50;
	s18 =	simm.s32 $0xC440  }
0x4: {  	s19 =	simm.s32 $0xD840;
	s20 =	simm.s32 $0x1;
	s21 =	simm.s32 $0xEC40  }
0x5: {  	s22 =	simm.s32 $0x2;
	s1 =	sand.u32 $0x1, s1;
	s3 =	sshll.u32 s3, $0x1  }
0x6: {  	s24 =	simm.s32 $0x0;
	[smem:$0x7FF] =	sst s2;
	s3 =	sor.u32 s1, s3  }
0x7: {  	s5 =	sadd.s32 $0x27A00, s0;
	s1 =	ssub.s32 $0x2, s1;
	s4 =	smul.u32 $0x2710, s3  }
0x8: {  	s7 =	sadd.s32 $0x14000, s0;
	_ =	strace $0x80000047;
	s6 =	sshrl.u32 s1, $0x1  }
0x9: {  	s3 =	sadd.s32 $0x600, s0;
	s1 =	ssub.s32 s1, s6;
	s8 =	sshrl.u32 s4, $0x3  }
0xa: {  	s0 =	sadd.s32 $0x3B400, s0;
	s10 =	smax.u32 s1, $0x1;
	s4 =	sadd.s32 s5, s8  }
0xb: {  	s9 =	sadd.s32 $0x9C40, s8;
	s31 =	sadd.s32 s7, s8;
	[dreg:$0x2] =	wrdreg s4  }
0xc: {  	v1 =	vimm.s32 $0x0;
	vm0 =	vcmask $0x300;
	s8 =	sadd.s32 s0, s8;
	s30 =	sadd.s32 s5, s9;
	[dreg:$0x4] =	wrdreg s31  }
0xd: {  	v0 =	vimm.bf16 $0.0e+00;
	v1 =	vsel vm0, $0x3, v1;
	s7 =	sadd.s32 s7, s9;
	s9 =	sadd.s32 s0, s9;
	[dreg:$0x3] =	wrdreg s30  }
.LBB2_1:
0xe: {  	s0 =	rddreg [dreg:$0x2]  }
0xf: {  	[tilespmem:s2], [sflag:$0x3] =	stream.linear.gather [hbm4b:s0+s2], $0x2710, $0x38;
	[tilespmem:$0x13A60] =	vst v63  }
0x10: {  	_ =	swait.ge [sflag:s11], $0x2710  }
0x11: {  	[sflag:s11] =	ssyncset.done $0x0  }
0x12: {  	s1 =	simm.s32 $0x4E20;
	s25 =	rddreg [dreg:$0x3];
	[sflag:s11] =	ssyncadd.s32 $0xFFFFD8F0  }
0x13: {  	[tilespmem:s1], [sflag:$0x3] =	stream.linear.gather [hbm4b:s25+s2], $0x2710, $0x38;
	[tilespmem:$0x13A60] =	vst v63  }
0x14: {  	_ =	swait.ge [sflag:s11], $0x2710  }
0x15: {  	[sflag:s11] =	ssyncset.done $0x0  }
0x16: {  	s4 =	simm.s32 $0x2710;
	s26 =	rddreg [dreg:$0x4];
	[sflag:s11] =	ssyncadd.s32 $0xFFFFD8F0  }
0x17: {  	[tilespmem:s4], [sflag:$0x3] =	stream.linear.gather [hbm4b:s26+s2], $0x2710, $0x38;
	[tilespmem:$0x13A60] =	vst v63  }
0x18: {  	_ =	swait.ge [sflag:s11], $0x2710  }
0x19: {  	[sflag:s11] =	ssyncset.done $0x0  }
0x1a: {  	s29 =	simm.s32 $0x7530;
	[sflag:s11] =	ssyncadd.s32 $0xFFFFD8F0  }
0x1b: {  	[tilespmem:s29], [sflag:$0x3] =	stream.linear.gather [hbm4b:s7+s2], $0x2710, $0x38;
	[tilespmem:$0x13A60] =	vst v63  }
0x1c: {  	_ =	swait.ge [sflag:s11], $0x2710  }
0x1d: {  	[sflag:s11] =	ssyncset.done $0x0  }
0x1e: {  	s30 =	simm.s32 $0x9C40;
	s31 =	simm.s32 $0xB040;
	[sflag:s11] =	ssyncadd.s32 $0xFFFFD8F0  }
0x1f: {  	[tilespmem:s30], [sflag:$0x1] =	stream.indirect.gather [hbm4b:s3+s15], $0x40, s2, s15, $0xb8;
	[tilespmem:$0x13A60] =	vst v63  }
0x20: {  	s28 =	simm.s32 $0x0;
	s25 =	simm.s32 $0x7;
	s26 =	simm.s32 $0x57  }
0x21: {  	[tilespmem:s31], [sflag:$0x1] =	stream.indirect.gather [hbm4b:s3+s15], $0x40, s1, s15, $0xb8;
	[tilespmem:$0x13A60] =	vst v63  }
.LBB2_3:
0x22: {  	s29 =	smul.u32 $0xA0, s28;
	_ =	sdelay $0x1  }
0x23: {  	s0 =	sadd.s32 $0x50, s29  }
0x24: {  	[tilespmem:s18], [sflag:$0x2] =	stream.indirect.gather [hbm4b:s3+s15], $0x40, s0, s15, $0xb8;
	[tilespmem:$0x13A60] =	vst v63  }
0x25: {  	s17 =	sadd.s32 $0x4E70, s29  }
0x26: {  	[tilespmem:s19], [sflag:$0x2] =	stream.indirect.gather [hbm4b:s3+s15], $0x40, s17, s15, $0xb8;
	[tilespmem:$0x13A60] =	vst v63  }
0x27: {  	_ =	swait.ge [sflag:s20], $0x1400  }
0x28: {  	[sflag:s20] =	ssyncset.done $0x0  }
0x29: {  	[sflag:s20] =	ssyncadd.s32 $0xFFFFEC00  }
0x2a: {  	_ =	swait.ge [sflag:s20], $0x1400  }
0x2b: {  	[sflag:s20] =	ssyncset.done $0x0  }
0x2c: {  	s17 =	simm.s32 $0x9D40;
	[sflag:s20] =	ssyncadd.s32 $0xFFFFEC00  }
0x2d: {  	s16 =	simm.s32 $0xB140;
	v2 =	vld [tilespmem:s17+$0x0]  }
0x2e: {  	v3 =	vld [tilespmem:s16+$0x0]  }
0x2f: {  	v4 =	vld [tilespmem:s17+$0x10]  }
0x30: {  	v5 =	vld [tilespmem:s16+$0x10]  }
0x31: {  	v6 =	vld [tilespmem:s17+$0x20]  }
0x32: {  	v7 =	vld [tilespmem:s16+$0x20]  }
0x33: {  	v8 =	vld [tilespmem:s16+$0x30];
	v2 =	vmul.bf16 v3, v2  }
0x34: {  	v3 =	vld [tilespmem:s17+$0x30]  }
0x35: {  	v4 =	vmul.bf16 v5, v4;
	v2 =	vadd.bf16 v0, v2;
	_ =	sdelay $0x1  }
0x36: {  	v2 =	vadd.bf16 v4, v2;
	v4 =	vmul.bf16 v7, v6;
	_ =	sdelay $0x1  }
0x37: {  	v3 =	vmul.bf16 v8, v3;
	v2 =	vadd.bf16 v4, v2;
	_ =	sdelay $0x1  }
0x38: {  	v2 =	vadd.bf16 v3, v2  }
0x39: {  	v5 =	vld [tilespmem:s17+$0xFFFFFF00]  }
0x3a: {  	v3 =	vld [tilespmem:s16+$0xFFFFFF00];
	v4 =	vshll.u32 v2, $0x10;
	v2 =	vand.u32 $0xFFFF0000, v2  }
0x3b: {  	v6 =	vld [tilespmem:s16+$0xFFFFFF10];
	v2 =	vadd.f32 v2, v4  }
0x3c: {  	v4 =	vld [tilespmem:s17+$0xFFFFFF10]  }
0x3d: {  	(xrf2) =	vadd.scan.msk.f32 $0xffff, v2  }
0x3e: {  	v7 =	vld [tilespmem:s16+$0xFFFFFF20]  }
0x3f: {  	s23 =	sadd.s32 $0xFFFFFFFD, s25;
	v2 =	vld [tilespmem:s17+$0xFFFFFF20];
	v3 =	vmul.bf16 v3, v5  }
0x40: {  	v9 =	vld [tilespmem:s16+$0xFFFFFF30];
	v8 =	vmov s23  }
0x41: {  	v8 =	vshrl.u32 v8, $0x3;
	v5 =	vld [tilespmem:s17+$0xFFFFFF30];
	v3 =	vadd.bf16 v0, v3;
	v4 =	vmul.bf16 v6, v4  }
0x42: {  	v6 =	vshll.u32 v8, v1  }
0x43: {  	v6 =	vadd.s32 $0x4, v6;
	v3 =	vadd.bf16 v4, v3  }
0x44: {  	v2 =	vmul.bf16 v7, v2;
	v4 =	vbroadcast v6, $0x0;
	_ =	sdelay $0x1  }
0x45: {  	v5 =	vmul.bf16 v9, v5;
	v2 =	vadd.bf16 v2, v3  }
0x46: {  	v3, _, _ =	vpop (xrf2)  }
0x47: {  	v2 =	vadd.bf16 v5, v2;
	v3 =	vbroadcast v3, $0xF;
	_ =	sdelay $0x1  }
0x48: {  	v5 =	vshll.u32 v2, $0x10;
	v2 =	vand.u32 $0xFFFF0000, v2;
	[tilespmem:v4+s21+$0x0] =	vst.idx.msk $0x1, v3  }
0x49: {  	v2 =	vadd.f32 v2, v5;
	v3 =	vld [tilespmem:s17+$0x40]  }
0x4a: {  	v4 =	vld [tilespmem:s16+$0x40]  }
0x4b: {  	(xrf2) =	vadd.scan.msk.f32 $0xffff, v2;
	v2 =	vld [tilespmem:s17+$0x50]  }
0x4c: {  	v5 =	vld [tilespmem:s16+$0x50]  }
0x4d: {  	v6 =	vld [tilespmem:s17+$0x60]  }
0x4e: {  	s1 =	sadd.s32 $0xFFFFFFF9, s25;
	v7 =	vld [tilespmem:s16+$0x60]  }
0x4f: {  	v8 =	vmov s1;
	v9 =	vld [tilespmem:s17+$0x70];
	v3 =	vmul.bf16 v4, v3  }
0x50: {  	v4 =	vshrl.u32 v8, $0x3;
	v8 =	vld [tilespmem:s16+$0x70]  }
0x51: {  	v2 =	vmul.bf16 v5, v2;
	v4 =	vshll.u32 v4, v1;
	v3 =	vadd.bf16 v0, v3  }
0x52: {  	v4 =	vbroadcast v4, $0x0  }
0x53: {  	v2 =	vadd.bf16 v2, v3;
	v3 =	vmul.bf16 v7, v6;
	_ =	sdelay $0x1  }
0x54: {  	v5, _, _ =	vpop (xrf2);
	v2 =	vadd.bf16 v3, v2;
	v3 =	vmul.bf16 v8, v9  }
0x55: {  	v5 =	vbroadcast v5, $0xF  }
0x56: {  	v2 =	vadd.bf16 v3, v2  }
0x57: {  	[tilespmem:v4+s21+$0x0] =	vst.idx.msk $0x1, v5  }
0x58: {  	v3 =	vld [tilespmem:s17+$0xFFFFFF40];
	v4 =	vshll.u32 v2, $0x10;
	v2 =	vand.u32 $0xFFFF0000, v2  }
0x59: {  	v5 =	vld [tilespmem:s16+$0xFFFFFF40];
	v2 =	vadd.f32 v2, v4  }
0x5a: {  	v6 =	vld [tilespmem:s16+$0xFFFFFF50]  }
0x5b: {  	v4 =	vld [tilespmem:s17+$0xFFFFFF50];
	(xrf2) =	vadd.scan.msk.f32 $0xffff, v2  }
0x5c: {  	v7 =	vld [tilespmem:s16+$0xFFFFFF60]  }
0x5d: {  	s4 =	sadd.s32 $0xFFFFFFFE, s25;
	v2 =	vld [tilespmem:s17+$0xFFFFFF60]  }
0x5e: {  	v8 =	vmov s4;
	v9 =	vld [tilespmem:s16+$0xFFFFFF70];
	v3 =	vmul.bf16 v5, v3  }
0x5f: {  	v8 =	vshrl.u32 v8, $0x3;
	v5 =	vld [tilespmem:s17+$0xFFFFFF70]  }
0x60: {  	s31 =	simm.s32 $0xB340;
	v8 =	vshll.u32 v8, v1;
	v3 =	vadd.bf16 v0, v3;
	v4 =	vmul.bf16 v6, v4  }
0x61: {  	v10 =	vld [tilespmem:s31+$0x0];
	v8 =	vadd.s32 $0x5, v8  }
0x62: {  	s30 =	simm.s32 $0x9F40;
	v11 =	vld [tilespmem:s31+$0x20];
	v2 =	vmul.bf16 v7, v2;
	v3 =	vadd.bf16 v4, v3;
	v7 =	vbroadcast v8, $0x0  }
0x63: {  	v6 =	vld [tilespmem:s30+$0x0]  }
0x64: {  	v4 =	vld [tilespmem:s30+$0x10];
	v5 =	vmul.bf16 v9, v5;
	v2 =	vadd.bf16 v2, v3  }
0x65: {  	v8 =	vld [tilespmem:s31+$0x10];
	v9, _, _ =	vpop (xrf2)  }
0x66: {  	v12 =	vld [tilespmem:s31+$0x30];
	v2 =	vadd.bf16 v5, v2;
	v9 =	vbroadcast v9, $0xF  }
0x67: {  	v3 =	vld [tilespmem:s30+$0x20]  }
0x68: {  	v6 =	vmul.bf16 v10, v6;
	v5 =	vld [tilespmem:s30+$0x30];
	v13 =	vshll.u32 v2, $0x10;
	v2 =	vand.u32 $0xFFFF0000, v2;
	[tilespmem:v7+s21+$0x0] =	vst.idx.msk $0x1, v9  }
0x69: {  	v2 =	vadd.f32 v2, v13;
	v7 =	vld [tilespmem:s17+$0x80]  }
0x6a: {  	v6 =	vadd.bf16 v0, v6;
	v4 =	vmul.bf16 v8, v4;
	v8 =	vld [tilespmem:s16+$0x80]  }
0x6b: {  	v10 =	vld [tilespmem:s31+$0xFFFFFF00];
	(xrf2) =	vadd.scan.msk.f32 $0xffff, v2  }
0x6c: {  	v4 =	vadd.bf16 v4, v6;
	v3 =	vmul.bf16 v11, v3;
	v2 =	vld [tilespmem:s17+$0x90]  }
0x6d: {  	s5 =	sadd.s32 $0xFFFFFFFA, s25;
	v6 =	vld [tilespmem:s16+$0x90]  }
0x6e: {  	v11 =	vmov s5;
	v9 =	vld [tilespmem:s17+$0xA0];
	v3 =	vadd.bf16 v3, v4;
	v4 =	vmul.bf16 v12, v5  }
0x6f: {  	v11 =	vshrl.u32 v11, $0x3;
	v5 =	vld [tilespmem:s16+$0xA0];
	v7 =	vmul.bf16 v8, v7  }
0x70: {  	v11 =	vshll.u32 v11, v1;
	v3 =	vadd.bf16 v4, v3;
	v4 =	vld [tilespmem:s16+$0xB0]  }
0x71: {  	v11 =	vadd.s32 $0x1, v11;
	v8 =	vld [tilespmem:s17+$0xB0];
	v7 =	vadd.bf16 v0, v7  }
0x72: {  	v12 =	vld [tilespmem:s30+$0xFFFFFF00];
	v2 =	vmul.bf16 v6, v2;
	v6 =	vbroadcast v11, $0x0  }
0x73: {  	v13 =	vld [tilespmem:s30+$0xFFFFFF10];
	v11 =	vshll.u32 v3, $0x10;
	v3 =	vand.u32 $0xFFFF0000, v3  }
0x74: {  	v5 =	vmul.bf16 v5, v9;
	v3 =	vadd.f32 v3, v11;
	v11 =	vld [tilespmem:s31+$0xFFFFFF10];
	v2 =	vadd.bf16 v2, v7  }
0x75: {  	v9 =	vld [tilespmem:s30+$0xFFFFFF20];
	v7, _, _ =	vpop (xrf2)  }
0x76: {  	s0 =	sadd.s32 $0x8, s25;
	(xrf2) =	vadd.scan.msk.f32 $0xffff, v3;
	v3 =	vmul.bf16 v4, v8;
	v8 =	vld [tilespmem:s30+$0xFFFFFF30];
	v2 =	vadd.bf16 v5, v2;
	v4 =	vbroadcast v7, $0xF  }
0x77: {  	s1 =	sadd.s32 $0xFFFFFFFD, s0;
	v5 =	vld [tilespmem:s31+$0xFFFFFF20];
	v7 =	vmul.bf16 v10, v12  }
0x78: {  	v10 =	vmov s1;
	v2 =	vadd.bf16 v3, v2;
	v3 =	vld [tilespmem:s31+$0xFFFFFF30];
	[tilespmem:v6+s21+$0x0] =	vst.idx.msk $0x1, v4  }
0x79: {  	v4 =	vadd.bf16 v0, v7;
	v6 =	vmul.bf16 v11, v13;
	v7 =	vshrl.u32 v10, $0x3;
	v10 =	vld [tilespmem:s17+$0xFFFFFF80]  }
0x7a: {  	v7 =	vshll.u32 v7, v1;
	v11 =	vld [tilespmem:s16+$0xFFFFFF80];
	v12 =	vshll.u32 v2, $0x10  }
0x7b: {  	v2 =	vand.u32 $0xFFFF0000, v2;
	v4 =	vadd.bf16 v6, v4;
	v6 =	vadd.s32 $0x4, v7;
	v7 =	vld [tilespmem:s17+$0xFFFFFF90]  }
0x7c: {  	v2 =	vadd.f32 v2, v12;
	v5 =	vmul.bf16 v5, v9;
	v9 =	vld [tilespmem:s16+$0xFFFFFF90]  }
0x7d: {  	v6 =	vbroadcast v6, $0x0  }
0x7e: {  	v3 =	vmul.bf16 v3, v8;
	(xrf2) =	vadd.scan.msk.f32 $0xffff, v2;
	v2 =	vadd.bf16 v5, v4;
	v4 =	vld [tilespmem:s17+$0xFFFFFFA0]  }
0x7f: {  	s6 =	sadd.s32 $0xFFFFFFFF, s25;
	v5 =	vld [tilespmem:s16+$0xFFFFFFA0]  }
0x80: {  	v8, _, _ =	vpop (xrf2);
	v10 =	vmul.bf16 v11, v10;
	v2 =	vadd.bf16 v3, v2;
	v11 =	vmov s6  }
0x81: {  	v12 =	vld [tilespmem:s16+$0xFFFFFFB0];
	v8 =	vbroadcast v8, $0xF;
	v11 =	vshrl.u32 v11, $0x3;
	v7 =	vmul.bf16 v9, v7  }
0x82: {  	v3 =	vld [tilespmem:s17+$0xFFFFFFB0];
	v10 =	vadd.bf16 v0, v10;
	v13 =	vshll.u32 v2, $0x10;
	v2 =	vand.u32 $0xFFFF0000, v2  }
0x83: {  	[tilespmem:v6+s21+$0x0] =	vst.idx.msk $0x1, v8;
	v6 =	vshll.u32 v11, v1;
	v2 =	vadd.f32 v2, v13  }
0x84: {  	v4 =	vmul.bf16 v5, v4;
	v8 =	vld [tilespmem:s30+$0x70];
	v6 =	vadd.s32 $0x6, v6;
	v5 =	vadd.bf16 v7, v10  }
0x85: {  	v9 =	vld [tilespmem:s31+$0x70];
	v6 =	vbroadcast v6, $0x0  }
0x86: {  	v7 =	vld [tilespmem:s30+$0x60];
	(xrf2) =	vadd.scan.msk.f32 $0xffff, v2  }
0x87: {  	v10 =	vld [tilespmem:s30+$0x40];
	v2 =	vmul.bf16 v12, v3;
	v4 =	vadd.bf16 v4, v5  }
0x88: {  	v11 =	vld [tilespmem:s31+$0x40];
	v5, _, _ =	vpop (xrf2)  }
0x89: {  	s12 =	sadd.s32 $0xFFFFFFF9, s0;
	v13 =	vld [tilespmem:s31+$0x50];
	v2 =	vadd.bf16 v2, v4;
	v5 =	vbroadcast v5, $0xF  }
0x8a: {  	v12 =	vld [tilespmem:s30+$0x50];
	v4 =	vmov s12  }
0x8b: {  	v3 =	vld [tilespmem:s31+$0x60];
	v4 =	vshrl.u32 v4, $0x3;
	[tilespmem:v6+s21+$0x0] =	vst.idx.msk $0x1, v5;
	v5 =	vshll.u32 v2, $0x10;
	v2 =	vand.u32 $0xFFFF0000, v2  }
0x8c: {  	v4 =	vshll.u32 v4, v1;
	v6 =	vld [tilespmem:s17+$0xC0];
	v2 =	vadd.f32 v2, v5  }
0x8d: {  	v10 =	vmul.bf16 v11, v10;
	v4 =	vbroadcast v4, $0x0;
	v5 =	vld [tilespmem:s16+$0xC0]  }
0x8e: {  	v14 =	vld [tilespmem:s17+$0xD0];
	(xrf2) =	vadd.scan.msk.f32 $0xffff, v2  }
0x8f: {  	s13 =	sadd.s32 $0xFFFFFFFB, s25;
	v12 =	vmul.bf16 v13, v12;
	v10 =	vadd.bf16 v0, v10;
	v15 =	vld [tilespmem:s17+$0xE0]  }
0x90: {  	v13 =	vmov s13;
	v16 =	vld [tilespmem:s16+$0xE0];
	v11, _, _ =	vpop (xrf2)  }
0x91: {  	v3 =	vmul.bf16 v3, v7;
	v17 =	vld [tilespmem:s17+$0xF0];
	v10 =	vadd.bf16 v12, v10;
	v11 =	vbroadcast v11, $0xF  }
0x92: {  	v8 =	vmul.bf16 v9, v8;
	v13 =	vshrl.u32 v13, $0x3;
	v2 =	vld [tilespmem:s16+$0xD0]  }
0x93: {  	v7 =	vshll.u32 v13, v1;
	v3 =	vadd.bf16 v3, v10;
	[tilespmem:v4+s21+$0x0] =	vst.idx.msk $0x1, v11;
	v11 =	vld [tilespmem:s16+$0xF0]  }
0x94: {  	v4 =	vadd.s32 $0x2, v7;
	v7 =	vld [tilespmem:s30+$0xFFFFFF40]  }
0x95: {  	v3 =	vadd.bf16 v8, v3;
	v4 =	vbroadcast v4, $0x0;
	v9 =	vld [tilespmem:s31+$0xFFFFFF40]  }
0x96: {  	v10 =	vld [tilespmem:s30+$0xFFFFFF50]  }
0x97: {  	v8 =	vld [tilespmem:s31+$0xFFFFFF50];
	v13 =	vshll.u32 v3, $0x10;
	v3 =	vand.u32 $0xFFFF0000, v3  }
0x98: {  	v12 =	vld [tilespmem:s30+$0xFFFFFF60];
	v3 =	vadd.f32 v3, v13;
	v18, _, _ =	vpop (xrf2)  }
0x99: {  	v5 =	vmul.bf16 v5, v6;
	v19 =	vld [tilespmem:s31+$0xFFFFFF60];
	v13 =	vbroadcast v18, $0xF  }
0x9a: {  	v6 =	vmul.bf16 v9, v7;
	v7 =	vld [tilespmem:s31+$0xFFFFFF70];
	(xrf2) =	vadd.scan.msk.f32 $0xffff, v3  }
0x9b: {  	v2 =	vmul.bf16 v2, v14;
	v18 =	vld [tilespmem:s30+$0xFFFFFF70];
	[tilespmem:v4+s21+$0x0] =	vst.idx.msk $0x1, v13;
	v4 =	vadd.bf16 v0, v5  }
0x9c: {  	s14 =	sadd.s32 $0xFFFFFFFE, s0;
	v8 =	vmul.bf16 v8, v10;
	v5 =	vadd.bf16 v0, v6  }
0x9d: {  	s1 =	simm.s32 $0xA140;
	v9 =	vmul.bf16 v16, v15;
	v10 =	vmov s14;
	v2 =	vadd.bf16 v2, v4  }
0x9e: {  	v12 =	vmul.bf16 v19, v12;
	v10 =	vshrl.u32 v10, $0x3;
	v13 =	vld [tilespmem:s1+$0x10];
	v8 =	vadd.bf16 v8, v5  }
0x9f: {  	s14 =	simm.s32 $0xB540;
	v10 =	vshll.u32 v10, v1;
	v2 =	vadd.bf16 v9, v2;
	v9 =	vmul.bf16 v11, v17;
	v11 =	vld [tilespmem:s1+$0x0]  }
0xa0: {  	v10 =	vadd.s32 $0x5, v10;
	v7 =	vmul.bf16 v7, v18;
	v8 =	vadd.bf16 v12, v8;
	v12 =	vld [tilespmem:s14+$0x0]  }
0xa1: {  	v3 =	vld [tilespmem:s17+$0xFFFFFFC0];
	v10 =	vbroadcast v10, $0x0  }
0xa2: {  	v2 =	vadd.bf16 v9, v2;
	v7 =	vadd.bf16 v7, v8;
	v8 =	vld [tilespmem:s14+$0x10]  }
0xa3: {  	v17 =	vld [tilespmem:s14+$0x20]  }
0xa4: {  	v9 =	vld [tilespmem:s1+$0x20];
	v16, _, _ =	vpop (xrf2);
	v14 =	vshll.u32 v2, $0x10;
	v2 =	vand.u32 $0xFFFF0000, v2;
	v15 =	vshll.u32 v7, $0x10  }
0xa5: {  	v7 =	vand.u32 $0xFFFF0000, v7;
	v16 =	vbroadcast v16, $0xF;
	v11 =	vmul.bf16 v12, v11;
	v12 =	vld [tilespmem:s1+$0x30]  }
0xa6: {  	v2 =	vadd.f32 v2, v14;
	v7 =	vadd.f32 v7, v15;
	v14 =	vld [tilespmem:s14+$0x30]  }
0xa7: {  	v15 =	vld [tilespmem:s14+$0xFFFFFF00];
	[tilespmem:v10+s21+$0x0] =	vst.idx.msk $0x1, v16;
	v11 =	vadd.bf16 v0, v11;
	v8 =	vmul.bf16 v8, v13  }
0xa8: {  	(xrf2) =	vadd.scan.msk.f32 $0xffff, v2;
	v2 =	vld [tilespmem:s30+$0x80]  }
0xa9: {  	(xrf2) =	vadd.scan.msk.f32 $0xffff, v7;
	v7 =	vadd.bf16 v8, v11;
	v8 =	vmul.bf16 v17, v9;
	v9 =	vld [tilespmem:s31+$0x80]  }
0xaa: {  	v10 =	vld [tilespmem:s30+$0x90]  }
0xab: {  	s12 =	sadd.s32 $0xFFFFFFFA, s0;
	v7 =	vadd.bf16 v8, v7;
	v8 =	vmul.bf16 v14, v12;
	v12 =	vld [tilespmem:s31+$0x90]  }
0xac: {  	v13 =	vld [tilespmem:s30+$0xA0];
	v11 =	vmov s12  }
0xad: {  	v11 =	vshrl.u32 v11, $0x3;
	v7 =	vadd.bf16 v8, v7;
	v8 =	vld [tilespmem:s31+$0xA0]  }
0xae: {  	v16 =	vld [tilespmem:s31+$0xB0];
	v11 =	vshll.u32 v11, v1;
	v2 =	vmul.bf16 v9, v2  }
0xaf: {  	v11 =	vadd.s32 $0x1, v11;
	v9 =	vld [tilespmem:s30+$0xB0]  }
0xb0: {  	v17 =	vld [tilespmem:s1+$0xFFFFFF00];
	v14 =	vshll.u32 v7, $0x10;
	v2 =	vadd.bf16 v0, v2;
	v10 =	vmul.bf16 v12, v10  }
0xb1: {  	v6 =	vld [tilespmem:s16+$0xFFFFFFC0];
	v11 =	vbroadcast v11, $0x0  }
0xb2: {  	v18 =	vld [tilespmem:s14+$0xFFFFFF10];
	v7 =	vand.u32 $0xFFFF0000, v7;
	v2 =	vadd.bf16 v10, v2;
	v8 =	vmul.bf16 v8, v13  }
0xb3: {  	v12 =	vld [tilespmem:s1+$0xFFFFFF10];
	v7 =	vadd.f32 v7, v14;
	v14, _, _ =	vpop (xrf2)  }
0xb4: {  	v13 =	vld [tilespmem:s1+$0xFFFFFF20];
	v10, _, _ =	vpop (xrf2);
	v2 =	vadd.bf16 v8, v2;
	v8 =	vmul.bf16 v16, v9  }
0xb5: {  	(xrf2) =	vadd.scan.msk.f32 $0xffff, v7;
	v9 =	vmul.bf16 v15, v17;
	v15 =	vld [tilespmem:s1+$0xFFFFFF30];
	v7 =	vbroadcast v10, $0xF  }
0xb6: {  	s13 =	sadd.s32 $0x8, s0;
	v10 =	vld [tilespmem:s14+$0xFFFFFF20]  }
0xb7: {  	s23 =	sadd.s32 $0xFFFFFFFD, s13;
	v2 =	vadd.bf16 v8, v2;
	[tilespmem:v11+s21+$0x0] =	vst.idx.msk $0x1, v7;
	v7 =	vld [tilespmem:s14+$0xFFFFFF30]  }
0xb8: {  	v8 =	vadd.bf16 v0, v9;
	v9 =	vmul.bf16 v18, v12;
	v11 =	vmov s23;
	v12 =	vld [tilespmem:s30+$0xFFFFFF80]  }
0xb9: {  	v11 =	vshrl.u32 v11, $0x3;
	v16 =	vld [tilespmem:s31+$0xFFFFFF80];
	v17 =	vshll.u32 v2, $0x10;
	v2 =	vand.u32 $0xFFFF0000, v2  }
0xba: {  	v4 =	vld [tilespmem:s17+$0xFFFFFFD0];
	v11 =	vshll.u32 v11, v1;
	v2 =	vadd.f32 v2, v17  }
0xbb: {  	s4 =	sadd.s32 $0xFFFFFFFC, s25;
	v18 =	vld [tilespmem:s30+$0xFFFFFF90];
	v8 =	vadd.bf16 v9, v8;
	v11 =	vadd.s32 $0x4, v11;
	v9 =	vmul.bf16 v10, v13  }
0xbc: {  	v13 =	vmov s4;
	v10 =	vbroadcast v11, $0x0;
	v11 =	vld [tilespmem:s31+$0xFFFFFF90];
	(xrf2) =	vadd.scan.msk.f32 $0xffff, v2  }
0xbd: {  	v5 =	vld [tilespmem:s16+$0xFFFFFFD0];
	v7 =	vmul.bf16 v7, v15;
	v8 =	vadd.bf16 v9, v8  }
0xbe: {  	s5 =	sadd.s32 $0xFFFFFFFF, s0;
	v17 =	vld [tilespmem:s30+$0xFFFFFFA0];
	v12 =	vmul.bf16 v16, v12  }
0xbf: {  	v19 =	vmov s5;
	v2 =	vshrl.u32 v13, $0x3;
	v9 =	vld [tilespmem:s31+$0xFFFFFFA0];
	v13, _, _ =	vpop (xrf2);
	v7 =	vadd.bf16 v7, v8  }
0xc0: {  	v15 =	vld [tilespmem:s30+$0xFFFFFFB0];
	v16 =	vshrl.u32 v19, $0x3;
	v8 =	vbroadcast v13, $0xF;
	v12 =	vadd.bf16 v0, v12  }
0xc1: {  	s23 =	sadd.s32 $0xFFFFFFFB, s0;
	v13 =	vld [tilespmem:s31+$0xFFFFFFB0];
	v21 =	vshll.u32 v7, $0x10;
	v7 =	vand.u32 $0xFFFF0000, v7;
	v11 =	vmul.bf16 v11, v18  }
0xc2: {  	s6 =	sadd.s32 $0xFFFFFFFC, s0;
	v20 =	vmov s23;
	v19 =	vld [tilespmem:s17+$0xFFFFFFE0];
	[tilespmem:v10+s21+$0x0] =	vst.idx.msk $0x1, v8;
	v8 =	vshll.u32 v16, v1;
	v7 =	vadd.f32 v7, v21  }
0xc3: {  	v18 =	vmov s6;
	v16 =	vshrl.u32 v20, $0x3;
	v52 =	vld [tilespmem:s1+$0x70];
	v8 =	vadd.s32 $0x6, v8  }
0xc4: {  	v9 =	vmul.bf16 v9, v17;
	v53 =	vld [tilespmem:s14+$0x70];
	v11 =	vadd.bf16 v11, v12;
	v8 =	vbroadcast v8, $0x0;
	(xrf2) =	vadd.scan.msk.f32 $0xffff, v7  }
0xc5: {  	v24 =	vmov s25;
	v6 =	vmul.bf16 v6, v3;
	v16 =	vshll.u32 v16, v1;
	v23 =	vld [tilespmem:s14+$0x40]  }
0xc6: {  	v25 =	vld [tilespmem:s14+$0x50];
	v7 =	vshrl.u32 v18, $0x3;
	v13 =	vmul.bf16 v13, v15;
	v9 =	vadd.bf16 v9, v11;
	v18, _, _ =	vpop (xrf2)  }
0xc7: {  	v4 =	vmul.bf16 v5, v4;
	s23 =	sadd.s32 $0xFFFFFFF9, s13;
	v12 =	vadd.s32 $0x2, v16;
	v16 =	vld [tilespmem:s1+$0x50];
	v11 =	vbroadcast v18, $0xF  }
0xc8: {  	v15 =	vld [tilespmem:s1+$0x40];
	v18 =	vbroadcast v12, $0x0;
	v12 =	vmov s23;
	v9 =	vadd.bf16 v13, v9  }
0xc9: {  	v6 =	vadd.bf16 v0, v6;
	v22 =	vld [tilespmem:s1+$0x60];
	v7 =	vshll.u32 v7, v1;
	v12 =	vshrl.u32 v12, $0x3  }
0xca: {  	v17 =	vld [tilespmem:s14+$0x60];
	v7 =	vadd.s32 $0x3, v7;
	v3 =	vshll.u32 v12, v1;
	v13 =	vshll.u32 v9, $0x10;
	[tilespmem:v8+s21+$0x0] =	vst.idx.msk $0x1, v11  }
0xcb: {  	v9 =	vand.u32 $0xFFFF0000, v9;
	v8 =	vshrl.u32 v24, $0x3;
	v12 =	vbroadcast v3, $0x0;
	v11 =	vld [tilespmem:s30+$0xC0]  }
0xcc: {  	v3 =	vbroadcast v7, $0x0;
	v54 =	vld [tilespmem:s31+$0xC0];
	v7 =	vshll.u32 v8, v1;
	v8 =	vadd.f32 v9, v13  }
0xcd: {  	s4 =	sadd.s32 $0xFFFFFFFA, s13;
	v16 =	vmul.bf16 v25, v16;
	v9 =	vld [tilespmem:s30+$0xD0];
	v13 =	vmul.bf16 v23, v15  }
0xce: {  	v5 =	vld [tilespmem:s31+$0xD0];
	v7 =	vadd.s32 $0x7, v7;
	(xrf2) =	vadd.scan.msk.f32 $0xffff, v8;
	v8 =	vadd.bf16 v4, v6;
	v4 =	vmov s4;
	v15, _, _ =	vpop (xrf2)  }
0xcf: {  	v55 =	vld [tilespmem:s30+$0xE0];
	v13 =	vadd.bf16 v0, v13;
	v4 =	vshrl.u32 v4, $0x3;
	v6 =	vbroadcast v15, $0xF  }
0xd0: {  	s5 =	sadd.s32 $0xFFFFFFFB, s13;
	v7 =	vbroadcast v7, $0x0;
	v15 =	vld [tilespmem:s31+$0xE0];
	v4 =	vshll.u32 v4, v1  }
0xd1: {  	v56 =	vld [tilespmem:s30+$0xF0];
	[tilespmem:v12+s21+$0x0] =	vst.idx.msk $0x1, v6;
	v6 =	vmul.bf16 v54, v11;
	v12 =	vadd.bf16 v16, v13;
	v13 =	vmov s5  }
0xd2: {  	v4 =	vadd.s32 $0x1, v4;
	v11 =	vld [tilespmem:s31+$0xF0];
	v16 =	vmul.bf16 v17, v22;
	v13 =	vshrl.u32 v13, $0x3  }
0xd3: {  	v10 =	vld [tilespmem:s16+$0xFFFFFFE0];
	v5 =	vmul.bf16 v5, v9;
	v13 =	vshll.u32 v13, v1;
	v57 =	vadd.bf16 v0, v6  }
0xd4: {  	v17 =	vld [tilespmem:s1+$0xFFFFFF40];
	v12 =	vadd.bf16 v16, v12;
	v6 =	vbroadcast v4, $0x0;
	v4 =	vadd.s32 $0x2, v13  }
0xd5: {  	v9 =	vld [tilespmem:s14+$0xFFFFFF40];
	v13 =	vmul.bf16 v53, v52;
	v15 =	vmul.bf16 v15, v55;
	v5 =	vadd.bf16 v5, v57  }
0xd6: {  	v58 =	vld [tilespmem:s14+$0xFFFFFF50]  }
0xd7: {  	s6 =	sadd.s32 $0xFFFFFFFC, s13;
	v16 =	vld [tilespmem:s1+$0xFFFFFF50];
	v13 =	vadd.bf16 v13, v12;
	v11 =	vmul.bf16 v11, v56;
	v5 =	vadd.bf16 v15, v5  }
0xd8: {  	v14 =	vbroadcast v14, $0xF;
	v59 =	vmov s6;
	v10 =	vmul.bf16 v10, v19;
	v60 =	vld [tilespmem:s1+$0xFFFFFF60]  }
0xd9: {  	v19 =	vld [tilespmem:s14+$0xFFFFFF60];
	v62 =	vshll.u32 v13, $0x10;
	v5 =	vadd.bf16 v11, v5;
	v11 =	vand.u32 $0xFFFF0000, v13  }
0xda: {  	v2 =	vshll.u32 v2, v1;
	v21 =	vshrl.u32 v59, $0x3;
	[tilespmem:v7+s21+$0x0] =	vst.idx.msk $0x1, v14;
	v15 =	vld [tilespmem:s1+$0xFFFFFF70];
	v12, _, _ =	vpop (xrf2);
	v14 =	vadd.f32 v11, v62  }
0xdb: {  	v21 =	vshll.u32 v21, v1;
	v9 =	vmul.bf16 v9, v17;
	v17 =	vld [tilespmem:s14+$0xFFFFFF70];
	v61 =	vbroadcast v12, $0xF  }
0xdc: {  	v12 =	vld [tilespmem:s17+$0xFFFFFFF0];
	v16 =	vmul.bf16 v58, v16;
	v7 =	vshll.u32 v5, $0x10;
	v5 =	vand.u32 $0xFFFF0000, v5;
	(xrf2) =	vadd.scan.msk.f32 $0xffff, v14  }
0xdd: {  	v2 =	vadd.s32 $0x3, v2;
	v63 =	vadd.bf16 v0, v9;
	v13 =	vld [tilespmem:s16+$0xFFFFFFF0];
	[tilespmem:v18+s21+$0x0] =	vst.idx.msk $0x1, v61;
	v18 =	vadd.f32 v5, v7  }
0xde: {  	v2 =	vbroadcast v2, $0x0;
	v21 =	vadd.s32 $0x3, v21;
	v9 =	vld [tilespmem:s30+$0xFFFFFFC0]  }
0xdf: {  	s23 =	sadd.s32 $0xFFFFFFFE, s13;
	v4 =	vbroadcast v4, $0x0;
	v19 =	vmul.bf16 v19, v60;
	v16 =	vadd.bf16 v16, v63;
	v11 =	vld [tilespmem:s31+$0xFFFFFFC0];
	(xrf2) =	vadd.scan.msk.f32 $0xffff, v18  }
0xe0: {  	v7 =	vadd.bf16 v10, v8;
	v5 =	vbroadcast v21, $0x0;
	v10 =	vmov s23;
	v8 =	vld [tilespmem:s30+$0xFFFFFFD0]  }
0xe1: {  	s17 =	simm.s32 $0x4;
	s16 =	simm.s32 $0xB540;
	v14 =	vmul.bf16 v17, v15;
	s23 =	simm.s32 $0xA340;
	v15 =	vadd.bf16 v19, v16;
	v16 =	vshrl.u32 v10, $0x3;
	v10 =	vld [tilespmem:s31+$0xFFFFFFD0]  }
.LBB2_4:
0xe2: {  	v17 =	vld [tilespmem:s23+$0x0];
	v16 =	vshll.u32 v16, v1;
	s14 =	sadd.s32 $0x200, s14;
	v18 =	vmov s0;
	v12 =	vmul.bf16 v13, v12;
	s0 =	smov.u32 s13  }
0xe3: {  	v13 =	vld [tilespmem:s14+$0x0];
	v14 =	vadd.bf16 v14, v15;
	v15 =	vadd.s32 $0x5, v16;
	v16 =	vshrl.u32 v18, $0x3  }
0xe4: {  	v18 =	vld [tilespmem:s23+$0x10];
	v15 =	vbroadcast v15, $0x0;
	v9 =	vmul.bf16 v11, v9;
	v11 =	vshll.u32 v16, v1  }
0xe5: {  	v16 =	vld [tilespmem:s14+$0x10];
	v21 =	vshll.u32 v14, $0x10;
	v14 =	vand.u32 $0xFFFF0000, v14;
	v11 =	vadd.s32 $0x7, v11  }
0xe6: {  	v20 =	vld [tilespmem:s23+$0x20];
	v14 =	vadd.f32 v14, v21;
	v19, _, _ =	vpop (xrf2);
	v9 =	vadd.bf16 v0, v9;
	v11 =	vbroadcast v11, $0x0  }
0xe7: {  	v22 =	vmul.bf16 v10, v8;
	v10 =	vadd.bf16 v12, v7;
	v21 =	vld [tilespmem:s14+$0x20]  }
0xe8: {  	v12 =	vmul.bf16 v13, v17;
	v13 =	vld [tilespmem:s23+$0x30];
	v17 =	vbroadcast v19, $0xF;
	(xrf2) =	vadd.scan.msk.f32 $0xffff, v14  }
0xe9: {  	v7 =	vadd.bf16 v22, v9;
	v9 =	vshll.u32 v10, $0x10;
	v10 =	vand.u32 $0xFFFF0000, v10;
	v14 =	vld [tilespmem:s14+$0x30];
	v8, _, _ =	vpop (xrf2)  }
0xea: {  	v19 =	vld [tilespmem:s14+$0xFFFFFF00];
	v12 =	vadd.bf16 v0, v12;
	v16 =	vmul.bf16 v16, v18;
	[tilespmem:v15+s21+$0x0] =	vst.idx.msk $0x1, v17;
	v8 =	vbroadcast v8, $0xF  }
0xeb: {  	v9 =	vadd.f32 v10, v9;
	v15 =	vld [tilespmem:s1+$0x80]  }
0xec: {  	v10 =	vadd.bf16 v16, v12;
	v12 =	vmul.bf16 v21, v20;
	v16 =	vld [tilespmem:s16+$0x80];
	[tilespmem:v11+s21+$0x0] =	vst.idx.msk $0x1, v8  }
0xed: {  	s17 =	sadd.s32 $0x2, s17;
	v8 =	vld [tilespmem:s1+$0x90];
	(xrf2) =	vadd.scan.msk.f32 $0xffff, v9  }
0xee: {  	p0 =	slt.u32 s17, $0x12;
	v9 =	vadd.bf16 v12, v10;
	v10 =	vmul.bf16 v14, v13;
	v11 =	vld [tilespmem:s16+$0x90]  }
0xef: {  	v12 =	vld [tilespmem:s1+$0xA0]  }
0xf0: {  	v9 =	vadd.bf16 v10, v9;
	v10 =	vld [tilespmem:s16+$0xA0]  }
0xf1: {  	v13 =	vmul.bf16 v16, v15;
	v14 =	vld [tilespmem:s1+$0xB0]  }
0xf2: {  	v15 =	vshll.u32 v9, $0x10;
	v16 =	vld [tilespmem:s16+$0xB0];
	v17, _, _ =	vpop (xrf2)  }
0xf3: {  	v9 =	vand.u32 $0xFFFF0000, v9;
	v18 =	vld [tilespmem:s23+$0xFFFFFF00];
	v13 =	vadd.bf16 v0, v13;
	v8 =	vmul.bf16 v11, v8  }
0xf4: {  	v9 =	vadd.f32 v9, v15;
	v15 =	vbroadcast v17, $0xF;
	v11 =	vld [tilespmem:s23+$0xFFFFFF10]  }
0xf5: {  	v17 =	vld [tilespmem:s14+$0xFFFFFF10];
	v8 =	vadd.bf16 v8, v13;
	v13 =	vmul.bf16 v10, v12  }
0xf6: {  	v12 =	vld [tilespmem:s23+$0xFFFFFF20];
	(xrf2) =	vadd.scan.msk.f32 $0xffff, v9;
	[tilespmem:v6+s21+$0x0] =	vst.idx.msk $0x1, v15  }
0xf7: {  	s13 =	sadd.s32 $0x8, s13;
	v6 =	vld [tilespmem:s14+$0xFFFFFF20];
	v8 =	vadd.bf16 v13, v8;
	v9 =	vmul.bf16 v16, v14;
	v10, _, _ =	vpop (xrf2)  }
0xf8: {  	s12 =	sadd.s32 $0xFFFFFFF9, s13;
	s4 =	sadd.s32 $0xFFFFFFFA, s13;
	s5 =	sadd.s32 $0xFFFFFFFD, s13;
	v13 =	vmul.bf16 v19, v18;
	v14 =	vld [tilespmem:s23+$0xFFFFFF30];
	v10 =	vbroadcast v10, $0xF  }
0xf9: {  	s6 =	sadd.s32 $0xFFFFFFFB, s13;
	v16 =	vmov s12;
	s12 =	sadd.s32 $0xFFFFFFFC, s13;
	v18 =	vmov s5;
	v15 =	vld [tilespmem:s14+$0xFFFFFF30];
	v8 =	vadd.bf16 v9, v8  }
0xfa: {  	v9 =	vadd.bf16 v0, v13;
	v11 =	vmul.bf16 v17, v11;
	v13 =	vshrl.u32 v18, $0x3;
	v17 =	vld [tilespmem:s1+$0xFFFFFF80];
	[tilespmem:v2+s21+$0x0] =	vst.idx.msk $0x1, v10  }
0xfb: {  	v2 =	vmovc v3;
	v3 =	vmovc v5;
	v10 =	vshll.u32 v13, v1;
	v13 =	vld [tilespmem:s16+$0xFFFFFF80];
	v18 =	vshll.u32 v8, $0x10;
	v8 =	vand.u32 $0xFFFF0000, v8  }
0xfc: {  	v5 =	vadd.bf16 v11, v9;
	v9 =	vadd.s32 $0x4, v10;
	v10 =	vld [tilespmem:s1+$0xFFFFFF90];
	v8 =	vadd.f32 v8, v18  }
0xfd: {  	v6 =	vmul.bf16 v6, v12;
	v11 =	vshrl.u32 v16, $0x3;
	v9 =	vbroadcast v9, $0x0;
	v12 =	vld [tilespmem:s16+$0xFFFFFF90]  }
0xfe: {  	v11 =	vshll.u32 v11, v1;
	v14 =	vmul.bf16 v15, v14;
	v15 =	vmov s4;
	v16 =	vld [tilespmem:s1+$0xFFFFFFA0];
	(xrf2) =	vadd.scan.msk.f32 $0xffff, v8  }
0xff: {  	v5 =	vadd.bf16 v6, v5;
	v8 =	vbroadcast v11, $0x0;
	v6 =	vshrl.u32 v15, $0x3;
	v11 =	vld [tilespmem:s16+$0xFFFFFFA0]  }
0x100: {  	s4 =	sadd.s32 $0xFFFFFFFF, s0;
	v15 =	vmov s6;
	v6 =	vshll.u32 v6, v1;
	v18, _, _ =	vpop (xrf2);
	v13 =	vmul.bf16 v13, v17;
	v17 =	vld [tilespmem:s1+$0xFFFFFFB0]  }
0x101: {  	v19 =	vmov s4;
	v5 =	vadd.bf16 v14, v5;
	v14 =	vbroadcast v18, $0xF;
	v18 =	vld [tilespmem:s16+$0xFFFFFFB0]  }
0x102: {  	v19 =	vshrl.u32 v19, $0x3;
	v6 =	vadd.s32 $0x1, v6;
	v13 =	vadd.bf16 v0, v13;
	v20 =	vld [tilespmem:s30+$0xFFFFFFE0]  }
0x103: {  	v21 =	vshll.u32 v5, $0x10;
	v5 =	vand.u32 $0xFFFF0000, v5;
	[tilespmem:v9+s21+$0x0] =	vst.idx.msk $0x1, v14;
	v9 =	vshll.u32 v19, v1;
	v14 =	vld [tilespmem:s31+$0xFFFFFFE0]  }
0x104: {  	v6 =	vbroadcast v6, $0x0;
	v5 =	vadd.f32 v5, v21;
	v19 =	vld [tilespmem:s23+$0x70];
	v9 =	vadd.s32 $0x6, v9  }
0x105: {  	v15 =	vshrl.u32 v15, $0x3;
	v10 =	vmul.bf16 v12, v10;
	v21 =	vld [tilespmem:s14+$0x70];
	v9 =	vbroadcast v9, $0x0  }
0x106: {  	v12 =	vshll.u32 v15, v1;
	v15 =	vld [tilespmem:s23+$0x60];
	(xrf2) =	vadd.scan.msk.f32 $0xffff, v5;
	v5 =	vmul.bf16 v11, v16;
	v11 =	vmul.bf16 v18, v17  }
0x107: {  	v22 =	vmov s12;
	v12 =	vadd.s32 $0x2, v12;
	v10 =	vadd.bf16 v10, v13;
	v17 =	vld [tilespmem:s14+$0x60]  }
0x108: {  	v18 =	vbroadcast v12, $0x0;
	v12 =	vshrl.u32 v22, $0x3;
	v13 =	vld [tilespmem:s23+$0x50];
	v16, _, _ =	vpop (xrf2);
	v14 =	vmul.bf16 v14, v20  }
0x109: {  	v12 =	vshll.u32 v12, v1;
	v10 =	vadd.bf16 v5, v10;
	v20 =	vld [tilespmem:s23+$0x40];
	v16 =	vbroadcast v16, $0xF  }
0x10a: {  	v5 =	vadd.s32 $0x3, v12;
	v12 =	vld [tilespmem:s14+$0x40];
	v7 =	vadd.bf16 v14, v7  }
0x10b: {  	v5 =	vbroadcast v5, $0x0;
	v10 =	vadd.bf16 v11, v10;
	v14 =	vld [tilespmem:s14+$0x50];
	[tilespmem:v9+s21+$0x0] =	vst.idx.msk $0x1, v16  }
0x10c: {  	v9 =	vld [tilespmem:s1+$0xC0]  }
0x10d: {  	v11 =	vshll.u32 v10, $0x10;
	v10 =	vand.u32 $0xFFFF0000, v10;
	v16 =	vld [tilespmem:s16+$0xC0]  }
0x10e: {  	v10 =	vadd.f32 v10, v11;
	v11 =	vld [tilespmem:s1+$0xD0]  }
0x10f: {  	v12 =	vmul.bf16 v12, v20;
	v20 =	vld [tilespmem:s16+$0xD0]  }
0x110: {  	v22, _, _ =	vpop (xrf2);
	v23 =	vld [tilespmem:s1+$0xE0];
	(xrf2) =	vadd.scan.msk.f32 $0xffff, v10  }
0x111: {  	v13 =	vmul.bf16 v14, v13;
	v10 =	vbroadcast v22, $0xF;
	v12 =	vadd.bf16 v0, v12;
	v14 =	vld [tilespmem:s16+$0xE0]  }
0x112: {  	v9 =	vmul.bf16 v16, v9;
	v16 =	vld [tilespmem:s1+$0xF0]  }
0x113: {  	[tilespmem:v8+s21+$0x0] =	vst.idx.msk $0x1, v10;
	v8 =	vadd.bf16 v13, v12;
	v10 =	vmul.bf16 v17, v15;
	v12 =	vld [tilespmem:s16+$0xF0]  }
0x114: {  	v13 =	vld [tilespmem:s23+$0xFFFFFF40];
	v9 =	vadd.bf16 v0, v9;
	v11 =	vmul.bf16 v20, v11  }
0x115: {  	v15 =	vld [tilespmem:s14+$0xFFFFFF40];
	v8 =	vadd.bf16 v10, v8;
	v10 =	vmul.bf16 v21, v19  }
0x116: {  	v17 =	vld [tilespmem:s23+$0xFFFFFF50];
	v9 =	vadd.bf16 v11, v9;
	v11 =	vmul.bf16 v14, v23  }
0x117: {  	v14 =	vld [tilespmem:s14+$0xFFFFFF50];
	v8 =	vadd.bf16 v10, v8  }
0x118: {  	v10 =	vld [tilespmem:s23+$0xFFFFFF60];
	v9 =	vadd.bf16 v11, v9;
	v19 =	vmul.bf16 v12, v16  }
0x119: {  	v16 =	vld [tilespmem:s14+$0xFFFFFF60];
	v12 =	vshll.u32 v8, $0x10;
	v8 =	vand.u32 $0xFFFF0000, v8  }
0x11a: {  	v13 =	vmul.bf16 v15, v13;
	v15 =	vld [tilespmem:s23+$0xFFFFFF70];
	v8 =	vadd.f32 v8, v12;
	v9 =	vadd.bf16 v19, v9;
	v11, _, _ =	vpop (xrf2)  }
0x11b: {  	v19 =	vld [tilespmem:s14+$0xFFFFFF70];
	v11 =	vbroadcast v11, $0xF  }
0x11c: {  	v20 =	vadd.bf16 v0, v13;
	(xrf2) =	vadd.scan.msk.f32 $0xffff, v8;
	v8 =	vshll.u32 v9, $0x10;
	v9 =	vand.u32 $0xFFFF0000, v9;
	v12 =	vld [tilespmem:s30+$0xFFFFFFF0];
	s30 =	smov.u32 s1;
	s1 =	smov.u32 s23  }
.Ltmp0:
0x11d: {  	v14 =	vmul.bf16 v14, v17;
	[tilespmem:v4+s21+$0x0] =	vst.idx.msk $0x1, v11;
	v8 =	vadd.f32 v9, v8;
	v13 =	vld [tilespmem:s31+$0xFFFFFFF0];
	v4 =	vmov v18;
	s31 =	smov.u32 s16;
	s16 =	smov.u32 s14;
	(pc) =	sbr.rel @p0 .LBB2_4-.Ltmp0, $4  }
0x11e: {  	v10 =	vmul.bf16 v16, v10;
	v9 =	vld [tilespmem:s30+$0xFFFFFFC0]  }
0x11f: {  	s4 =	sadd.s32 $0xFFFFFFFE, s13;
	v16 =	vadd.bf16 v14, v20;
	v11 =	vld [tilespmem:s31+$0xFFFFFFC0];
	(xrf2) =	vadd.scan.msk.f32 $0xffff, v8  }
0x120: {  	v17 =	vmov s4;
	v14 =	vmul.bf16 v19, v15;
	v8 =	vld [tilespmem:s30+$0xFFFFFFD0]  }
0x121: {  	s23 =	sadd.s32 $0x200, s23;
	v15 =	vadd.bf16 v10, v16;
	v16 =	vshrl.u32 v17, $0x3;
	v10 =	vld [tilespmem:s31+$0xFFFFFFD0]  }
0x122: {  	_ = 	snop  }
0x123: {  	v16 =	vshll.u32 v16, v1;
	v14 =	vadd.bf16 v14, v15  }
0x124: {  	v15 =	vadd.s32 $0x5, v16  }
0x125: {  	v15 =	vbroadcast v15, $0x0;
	v16 =	vshll.u32 v14, $0x10;
	v14 =	vand.u32 $0xFFFF0000, v14  }
0x126: {  	v14 =	vadd.f32 v14, v16;
	_ =	sdelay $0x1  }
0x127: {  	v16, _, _ =	vpop (xrf2);
	(xrf2) =	vadd.scan.msk.f32 $0xffff, v14  }
0x128: {  	v14 =	vbroadcast v16, $0xF;
	_ =	sdelay $0x1  }
0x129: {  	[tilespmem:v15+s21+$0x0] =	vst.idx.msk $0x1, v14  }
0x12a: {  	v14 =	vld [tilespmem:s1+$0x80]  }
0x12b: {  	v15 =	vld [tilespmem:s16+$0x80]  }
0x12c: {  	v16 =	vld [tilespmem:s1+$0x90]  }
0x12d: {  	v17 =	vld [tilespmem:s16+$0x90]  }
0x12e: {  	v18 =	vld [tilespmem:s1+$0xA0]  }
0x12f: {  	v19, _, _ =	vpop (xrf2);
	v20 =	vld [tilespmem:s16+$0xA0]  }
0x130: {  	v22 =	vld [tilespmem:s16+$0xB0];
	v14 =	vmul.bf16 v15, v14;
	v21, _, _ =	vpop (xrf2)  }
0x131: {  	v15 =	vld [tilespmem:s1+$0xB0];
	v21 =	vbroadcast v21, $0xF  }
0x132: {  	v16 =	vmul.bf16 v17, v16;
	v14 =	vadd.bf16 v0, v14  }
0x133: {  	[tilespmem:v6+s21+$0x0] =	vst.idx.msk $0x1, v21  }
0x134: {  	v6 =	vmul.bf16 v13, v12;
	v12 =	vadd.bf16 v16, v14;
	v13 =	vmul.bf16 v20, v18;
	v14 =	vld [tilespmem:s1+$0xFFFFFF80]  }
0x135: {  	v16 =	vld [tilespmem:s16+$0xFFFFFF80]  }
0x136: {  	v6 =	vadd.bf16 v6, v7;
	v7 =	vadd.bf16 v13, v12;
	v12 =	vmul.bf16 v22, v15;
	v13 =	vld [tilespmem:s1+$0xFFFFFF90]  }
0x137: {  	v15 =	vld [tilespmem:s16+$0xFFFFFF90]  }
0x138: {  	v17 =	vshll.u32 v6, $0x10;
	v6 =	vand.u32 $0xFFFF0000, v6;
	v7 =	vadd.bf16 v12, v7;
	v12 =	vld [tilespmem:s1+$0xFFFFFFA0]  }
0x139: {  	v6 =	vadd.f32 v6, v17;
	v17 =	vld [tilespmem:s16+$0xFFFFFFA0]  }
0x13a: {  	v18 =	vshll.u32 v7, $0x10;
	v7 =	vand.u32 $0xFFFF0000, v7;
	v14 =	vmul.bf16 v16, v14;
	v16 =	vld [tilespmem:s1+$0xFFFFFFB0]  }
0x13b: {  	v7 =	vadd.f32 v7, v18;
	v18 =	vld [tilespmem:s16+$0xFFFFFFB0]  }
0x13c: {  	(xrf2) =	vadd.scan.msk.f32 $0xffff, v6;
	v13 =	vmul.bf16 v15, v13;
	v6 =	vadd.bf16 v0, v14;
	_ =	sdelay $0x1  }
0x13d: {  	(xrf2) =	vadd.scan.msk.f32 $0xffff, v7;
	v7 =	vmul.bf16 v17, v12;
	v6 =	vadd.bf16 v13, v6;
	_ =	sdelay $0x1  }
0x13e: {  	v13 =	vmul.bf16 v18, v16;
	v6 =	vadd.bf16 v7, v6  }
0x13f: {  	s4 =	sadd.s32 $0xFFFFFFFF, s13  }
0x140: {  	v12 =	vmov s4;
	v6 =	vadd.bf16 v13, v6  }
0x141: {  	v7 =	vshrl.u32 v12, $0x3  }
0x142: {  	v7 =	vshll.u32 v7, v1;
	v12 =	vshll.u32 v6, $0x10  }
0x143: {  	v7 =	vadd.s32 $0x6, v7;
	v6 =	vand.u32 $0xFFFF0000, v6  }
0x144: {  	v7 =	vbroadcast v7, $0x0;
	v6 =	vadd.f32 v6, v12  }
0x145: {  	v12, _, _ =	vpop (xrf2)  }
0x146: {  	v13, _, _ =	vpop (xrf2);
	(xrf2) =	vadd.scan.msk.f32 $0xffff, v6;
	_ =	sdelay $0x1  }
0x147: {  	v23 =	vld [tilespmem:s30+$0xFFFFFFF0];
	v6 =	vbroadcast v13, $0xF  }
0x148: {  	v14 =	vld [tilespmem:s31+$0xFFFFFFE0]  }
0x149: {  	v13 =	vld [tilespmem:s30+$0xFFFFFFE0];
	[tilespmem:v7+s21+$0x0] =	vst.idx.msk $0x1, v6  }
0x14a: {  	v6 =	vld [tilespmem:s1+$0xC0]  }
0x14b: {  	v7 =	vld [tilespmem:s16+$0xC0]  }
0x14c: {  	v15 =	vld [tilespmem:s1+$0xD0]  }
0x14d: {  	v16 =	vld [tilespmem:s16+$0xD0]  }
0x14e: {  	v17 =	vld [tilespmem:s1+$0xE0]  }
0x14f: {  	v18 =	vld [tilespmem:s16+$0xE0];
	v44, _, _ =	vpop (xrf2)  }
0x150: {  	v43 =	vld [tilespmem:s1+$0xF0];
	v21 =	vbroadcast v44, $0xF  }
0x151: {  	v45 =	vld [tilespmem:s16+$0xF0]  }
0x152: {  	[tilespmem:v4+s21+$0x0] =	vst.idx.msk $0x1, v21;
	v4 =	vld [tilespmem:s31+$0xFFFFFFF0]  }
0x153: {  	v21 =	vld [tilespmem:s1+$0xFFFFFFC0]  }
0x154: {  	v24 =	vld [tilespmem:s16+$0xFFFFFFC0]  }
0x155: {  	v25 =	vld [tilespmem:s1+$0xFFFFFFD0]  }
0x156: {  	v6 =	vmul.bf16 v7, v6;
	v7 =	vld [tilespmem:s16+$0xFFFFFFD0]  }
0x157: {  	v9 =	vmul.bf16 v11, v9;
	v11 =	vld [tilespmem:s1+$0xFFFFFFE0]  }
0x158: {  	v15 =	vmul.bf16 v16, v15;
	v6 =	vadd.bf16 v0, v6;
	v16 =	vld [tilespmem:s16+$0xFFFFFFE0]  }
0x159: {  	v9 =	vadd.bf16 v0, v9;
	v46 =	vld [tilespmem:s1+$0xFFFFFFF0];
	v21 =	vmul.bf16 v24, v21  }
0x15a: {  	v8 =	vmul.bf16 v10, v8;
	v10 =	vmul.bf16 v18, v17;
	v6 =	vadd.bf16 v15, v6;
	v15 =	vld [tilespmem:s16+$0xFFFFFFF0]  }
0x15b: {  	v7 =	vmul.bf16 v7, v25;
	v17 =	vadd.bf16 v0, v21  }
0x15c: {  	v8 =	vadd.bf16 v8, v9;
	v9 =	vmul.bf16 v14, v13;
	v6 =	vadd.bf16 v10, v6  }
0x15d: {  	v10 =	vmul.bf16 v45, v43;
	v11 =	vmul.bf16 v16, v11;
	v7 =	vadd.bf16 v7, v17  }
0x15e: {  	v8 =	vadd.bf16 v9, v8;
	v4 =	vmul.bf16 v4, v23  }
0x15f: {  	v6 =	vadd.bf16 v10, v6;
	v9 =	vmul.bf16 v15, v46;
	v7 =	vadd.bf16 v11, v7  }
0x160: {  	v4 =	vadd.bf16 v4, v8  }
0x161: {  	v8 =	vshll.u32 v6, $0x10;
	v6 =	vand.u32 $0xFFFF0000, v6;
	v7 =	vadd.bf16 v9, v7  }
0x162: {  	v6 =	vadd.f32 v6, v8;
	v8 =	vshll.u32 v4, $0x10;
	v4 =	vand.u32 $0xFFFF0000, v4  }
0x163: {  	v4 =	vadd.f32 v4, v8;
	v8 =	vshll.u32 v7, $0x10;
	v7 =	vand.u32 $0xFFFF0000, v7  }
0x164: {  	(xrf2) =	vadd.scan.msk.f32 $0xffff, v6;
	v6 =	vadd.f32 v7, v8  }
0x165: {  	(xrf2) =	vadd.scan.msk.f32 $0xffff, v4;
	v7 =	vmov s0  }
0x166: {  	v4 =	vshrl.u32 v7, $0x3;
	(xrf2) =	vadd.scan.msk.f32 $0xffff, v6  }
0x167: {  	v4 =	vshll.u32 v4, v1;
	v6 =	vmov s13  }
0x168: {  	v4 =	vadd.s32 $0x7, v4;
	v6 =	vshrl.u32 v6, $0x3  }
0x169: {  	v4 =	vbroadcast v4, $0x0;
	v6 =	vshll.u32 v6, v1  }
0x16a: {  	v6 =	vadd.s32 $0x7, v6  }
0x16b: {  	v7 =	vbroadcast v19, $0xF;
	v6 =	vbroadcast v6, $0x0;
	_ =	sdelay $0x2  }
0x16c: {  	v9 =	vbroadcast v12, $0xF;
	v8, _, _ =	vpop (xrf2)  }
0x16d: {  	[tilespmem:v4+s21+$0x0] =	vst.idx.msk $0x1, v7;
	v4 =	vbroadcast v8, $0xF;
	v7, _, _ =	vpop (xrf2)  }
0x16e: {  	[tilespmem:v2+s21+$0x0] =	vst.idx.msk $0x1, v9;
	v2 =	vbroadcast v7, $0xF;
	v7, _, _ =	vpop (xrf2)  }
0x16f: {  	[tilespmem:v6+s21+$0x0] =	vst.idx.msk $0x1, v4;
	v4 =	vbroadcast v7, $0xF  }
0x170: {  	p0 =	seq.s32 s28, $0x7C;
	[tilespmem:v3+s21+$0x0] =	vst.idx.msk $0x1, v2  }
0x171: {  	s4 =	simm.s32 @!p0 $0x9C40;
	s1 =	simm.s32 @!p0 $0x50;
	s0 =	sadd.s32 @!p0 $0xA0, s29;
	[tilespmem:v5+s21+$0x0] =	vst.idx.msk $0x1, v4  }
0x172: {  	[tilespmem:s4], [sflag:$0x1] =	stream.indirect.gather @!p0 [hbm4b:s3+s1], $0x40, s0, s1, $0xb8;
	[tilespmem:$0x13A60] =	vst v63  }
0x173: {  	s0 =	sadd.s32 @!p0 $0x4EC0, s29;
	s4 =	simm.s32 @!p0 $0xB040  }
0x174: {  	[tilespmem:s4], [sflag:$0x1] =	stream.indirect.gather @!p0 [hbm4b:s3+s1], $0x40, s0, s1, $0xb8;
	[tilespmem:$0x13A60] =	vst v63  }
0x175: {  	_ =	swait.ge [sflag:s22], $0x1400  }
0x176: {  	[sflag:s22] =	ssyncset.done $0x0  }
0x177: {  	[sflag:s22] =	ssyncadd.s32 $0xFFFFEC00  }
0x178: {  	_ =	swait.ge [sflag:s22], $0x1400  }
0x179: {  	[sflag:s22] =	ssyncset.done $0x0  }
0x17a: {  	s16 =	simm.s32 $0xC540;
	[sflag:s22] =	ssyncadd.s32 $0xFFFFEC00  }
0x17b: {  	s14 =	simm.s32 $0xD940;
	v2 =	vld [tilespmem:s16+$0x0]  }
0x17c: {  	v3 =	vld [tilespmem:s14+$0x0]  }
0x17d: {  	v4 =	vld [tilespmem:s16+$0x10]  }
0x17e: {  	v5 =	vld [tilespmem:s14+$0x10]  }
0x17f: {  	v6 =	vld [tilespmem:s16+$0x20]  }
0x180: {  	v7 =	vld [tilespmem:s14+$0x20]  }
0x181: {  	v8 =	vld [tilespmem:s14+$0x30];
	v2 =	vmul.bf16 v3, v2  }
0x182: {  	v3 =	vld [tilespmem:s16+$0x30]  }
0x183: {  	v4 =	vmul.bf16 v5, v4;
	v2 =	vadd.bf16 v0, v2;
	_ =	sdelay $0x1  }
0x184: {  	v2 =	vadd.bf16 v4, v2;
	v4 =	vmul.bf16 v7, v6;
	_ =	sdelay $0x1  }
0x185: {  	v3 =	vmul.bf16 v8, v3;
	v2 =	vadd.bf16 v4, v2;
	_ =	sdelay $0x1  }
0x186: {  	v2 =	vadd.bf16 v3, v2  }
0x187: {  	v5 =	vld [tilespmem:s16+$0xFFFFFF00]  }
0x188: {  	v3 =	vld [tilespmem:s14+$0xFFFFFF00];
	v4 =	vshll.u32 v2, $0x10;
	v2 =	vand.u32 $0xFFFF0000, v2  }
0x189: {  	v6 =	vld [tilespmem:s14+$0xFFFFFF10];
	v2 =	vadd.f32 v2, v4  }
0x18a: {  	v4 =	vld [tilespmem:s16+$0xFFFFFF10]  }
0x18b: {  	(xrf2) =	vadd.scan.msk.f32 $0xffff, v2  }
0x18c: {  	v7 =	vld [tilespmem:s14+$0xFFFFFF20]  }
0x18d: {  	s4 =	sadd.s32 $0xFFFFFFFD, s26;
	v2 =	vld [tilespmem:s16+$0xFFFFFF20];
	v3 =	vmul.bf16 v3, v5  }
0x18e: {  	v9 =	vld [tilespmem:s14+$0xFFFFFF30];
	v8 =	vmov s4  }
0x18f: {  	v8 =	vshrl.u32 v8, $0x3;
	v5 =	vld [tilespmem:s16+$0xFFFFFF30];
	v3 =	vadd.bf16 v0, v3;
	v4 =	vmul.bf16 v6, v4  }
0x190: {  	v6 =	vshll.u32 v8, v1  }
0x191: {  	v6 =	vadd.s32 $0x4, v6;
	v3 =	vadd.bf16 v4, v3  }
0x192: {  	v2 =	vmul.bf16 v7, v2;
	v4 =	vbroadcast v6, $0x0;
	_ =	sdelay $0x1  }
0x193: {  	v5 =	vmul.bf16 v9, v5;
	v2 =	vadd.bf16 v2, v3  }
0x194: {  	v3, _, _ =	vpop (xrf2)  }
0x195: {  	v2 =	vadd.bf16 v5, v2;
	v3 =	vbroadcast v3, $0xF;
	_ =	sdelay $0x1  }
0x196: {  	v5 =	vshll.u32 v2, $0x10;
	v2 =	vand.u32 $0xFFFF0000, v2;
	[tilespmem:v4+s21+$0x0] =	vst.idx.msk $0x1, v3  }
0x197: {  	v2 =	vadd.f32 v2, v5;
	v3 =	vld [tilespmem:s16+$0x40]  }
0x198: {  	v4 =	vld [tilespmem:s14+$0x40]  }
0x199: {  	(xrf2) =	vadd.scan.msk.f32 $0xffff, v2;
	v2 =	vld [tilespmem:s16+$0x50]  }
0x19a: {  	v5 =	vld [tilespmem:s14+$0x50]  }
0x19b: {  	v6 =	vld [tilespmem:s16+$0x60]  }
0x19c: {  	s5 =	sadd.s32 $0xFFFFFFF9, s26;
	v7 =	vld [tilespmem:s14+$0x60]  }
0x19d: {  	v8 =	vmov s5;
	v9 =	vld [tilespmem:s16+$0x70];
	v3 =	vmul.bf16 v4, v3  }
0x19e: {  	v4 =	vshrl.u32 v8, $0x3;
	v8 =	vld [tilespmem:s14+$0x70]  }
0x19f: {  	v2 =	vmul.bf16 v5, v2;
	v4 =	vshll.u32 v4, v1;
	v3 =	vadd.bf16 v0, v3  }
0x1a0: {  	v4 =	vbroadcast v4, $0x0  }
0x1a1: {  	v2 =	vadd.bf16 v2, v3;
	v3 =	vmul.bf16 v7, v6;
	_ =	sdelay $0x1  }
0x1a2: {  	v5, _, _ =	vpop (xrf2);
	v2 =	vadd.bf16 v3, v2;
	v3 =	vmul.bf16 v8, v9  }
0x1a3: {  	v5 =	vbroadcast v5, $0xF  }
0x1a4: {  	v2 =	vadd.bf16 v3, v2  }
0x1a5: {  	[tilespmem:v4+s21+$0x0] =	vst.idx.msk $0x1, v5  }
0x1a6: {  	v3 =	vld [tilespmem:s16+$0xFFFFFF40];
	v4 =	vshll.u32 v2, $0x10;
	v2 =	vand.u32 $0xFFFF0000, v2  }
0x1a7: {  	v5 =	vld [tilespmem:s14+$0xFFFFFF40];
	v2 =	vadd.f32 v2, v4  }
0x1a8: {  	v6 =	vld [tilespmem:s14+$0xFFFFFF50]  }
0x1a9: {  	v4 =	vld [tilespmem:s16+$0xFFFFFF50];
	(xrf2) =	vadd.scan.msk.f32 $0xffff, v2  }
0x1aa: {  	v7 =	vld [tilespmem:s14+$0xFFFFFF60]  }
0x1ab: {  	s6 =	sadd.s32 $0xFFFFFFFE, s26;
	v2 =	vld [tilespmem:s16+$0xFFFFFF60]  }
0x1ac: {  	v8 =	vmov s6;
	v9 =	vld [tilespmem:s14+$0xFFFFFF70];
	v3 =	vmul.bf16 v5, v3  }
0x1ad: {  	v8 =	vshrl.u32 v8, $0x3;
	v5 =	vld [tilespmem:s16+$0xFFFFFF70]  }
0x1ae: {  	s30 =	simm.s32 $0xDB40;
	v8 =	vshll.u32 v8, v1;
	v3 =	vadd.bf16 v0, v3;
	v4 =	vmul.bf16 v6, v4  }
0x1af: {  	v10 =	vld [tilespmem:s30+$0x0];
	v8 =	vadd.s32 $0x5, v8  }
0x1b0: {  	s29 =	simm.s32 $0xC740;
	v11 =	vld [tilespmem:s30+$0x20];
	v2 =	vmul.bf16 v7, v2;
	v3 =	vadd.bf16 v4, v3;
	v7 =	vbroadcast v8, $0x0  }
0x1b1: {  	v6 =	vld [tilespmem:s29+$0x0]  }
0x1b2: {  	v4 =	vld [tilespmem:s29+$0x10];
	v5 =	vmul.bf16 v9, v5;
	v2 =	vadd.bf16 v2, v3  }
0x1b3: {  	v8 =	vld [tilespmem:s30+$0x10];
	v9, _, _ =	vpop (xrf2)  }
0x1b4: {  	v12 =	vld [tilespmem:s30+$0x30];
	v2 =	vadd.bf16 v5, v2;
	v9 =	vbroadcast v9, $0xF  }
0x1b5: {  	v3 =	vld [tilespmem:s29+$0x20]  }
0x1b6: {  	v6 =	vmul.bf16 v10, v6;
	v5 =	vld [tilespmem:s29+$0x30];
	v13 =	vshll.u32 v2, $0x10;
	v2 =	vand.u32 $0xFFFF0000, v2;
	[tilespmem:v7+s21+$0x0] =	vst.idx.msk $0x1, v9  }
0x1b7: {  	v2 =	vadd.f32 v2, v13;
	v7 =	vld [tilespmem:s16+$0x80]  }
0x1b8: {  	v6 =	vadd.bf16 v0, v6;
	v4 =	vmul.bf16 v8, v4;
	v8 =	vld [tilespmem:s14+$0x80]  }
0x1b9: {  	v10 =	vld [tilespmem:s30+$0xFFFFFF00];
	(xrf2) =	vadd.scan.msk.f32 $0xffff, v2  }
0x1ba: {  	v4 =	vadd.bf16 v4, v6;
	v3 =	vmul.bf16 v11, v3;
	v2 =	vld [tilespmem:s16+$0x90]  }
0x1bb: {  	s12 =	sadd.s32 $0xFFFFFFFA, s26;
	v6 =	vld [tilespmem:s14+$0x90]  }
0x1bc: {  	v11 =	vmov s12;
	v9 =	vld [tilespmem:s16+$0xA0];
	v3 =	vadd.bf16 v3, v4;
	v4 =	vmul.bf16 v12, v5  }
0x1bd: {  	v11 =	vshrl.u32 v11, $0x3;
	v5 =	vld [tilespmem:s14+$0xA0];
	v7 =	vmul.bf16 v8, v7  }
0x1be: {  	v11 =	vshll.u32 v11, v1;
	v3 =	vadd.bf16 v4, v3;
	v4 =	vld [tilespmem:s14+$0xB0]  }
0x1bf: {  	v11 =	vadd.s32 $0x1, v11;
	v8 =	vld [tilespmem:s16+$0xB0];
	v7 =	vadd.bf16 v0, v7  }
0x1c0: {  	v12 =	vld [tilespmem:s29+$0xFFFFFF00];
	v2 =	vmul.bf16 v6, v2;
	v6 =	vbroadcast v11, $0x0  }
0x1c1: {  	v13 =	vld [tilespmem:s29+$0xFFFFFF10];
	v11 =	vshll.u32 v3, $0x10;
	v3 =	vand.u32 $0xFFFF0000, v3  }
0x1c2: {  	v5 =	vmul.bf16 v5, v9;
	v3 =	vadd.f32 v3, v11;
	v11 =	vld [tilespmem:s30+$0xFFFFFF10];
	v2 =	vadd.bf16 v2, v7  }
0x1c3: {  	v9 =	vld [tilespmem:s29+$0xFFFFFF20];
	v7, _, _ =	vpop (xrf2)  }
0x1c4: {  	s31 =	sadd.s32 $0x8, s26;
	(xrf2) =	vadd.scan.msk.f32 $0xffff, v3;
	v3 =	vmul.bf16 v4, v8;
	v8 =	vld [tilespmem:s29+$0xFFFFFF30];
	v2 =	vadd.bf16 v5, v2;
	v4 =	vbroadcast v7, $0xF  }
0x1c5: {  	s13 =	sadd.s32 $0xFFFFFFFD, s31;
	v5 =	vld [tilespmem:s30+$0xFFFFFF20];
	v7 =	vmul.bf16 v10, v12  }
0x1c6: {  	v10 =	vmov s13;
	v2 =	vadd.bf16 v3, v2;
	v3 =	vld [tilespmem:s30+$0xFFFFFF30];
	[tilespmem:v6+s21+$0x0] =	vst.idx.msk $0x1, v4  }
0x1c7: {  	v4 =	vadd.bf16 v0, v7;
	v6 =	vmul.bf16 v11, v13;
	v7 =	vshrl.u32 v10, $0x3;
	v10 =	vld [tilespmem:s16+$0xFFFFFF80]  }
0x1c8: {  	v7 =	vshll.u32 v7, v1;
	v11 =	vld [tilespmem:s14+$0xFFFFFF80];
	v12 =	vshll.u32 v2, $0x10  }
0x1c9: {  	v2 =	vand.u32 $0xFFFF0000, v2;
	v4 =	vadd.bf16 v6, v4;
	v6 =	vadd.s32 $0x4, v7;
	v7 =	vld [tilespmem:s16+$0xFFFFFF90]  }
0x1ca: {  	v2 =	vadd.f32 v2, v12;
	v5 =	vmul.bf16 v5, v9;
	v9 =	vld [tilespmem:s14+$0xFFFFFF90]  }
0x1cb: {  	v6 =	vbroadcast v6, $0x0  }
0x1cc: {  	v3 =	vmul.bf16 v3, v8;
	(xrf2) =	vadd.scan.msk.f32 $0xffff, v2;
	v2 =	vadd.bf16 v5, v4;
	v4 =	vld [tilespmem:s16+$0xFFFFFFA0]  }
0x1cd: {  	s17 =	sadd.s32 $0xFFFFFFFF, s26;
	v5 =	vld [tilespmem:s14+$0xFFFFFFA0]  }
0x1ce: {  	v8, _, _ =	vpop (xrf2);
	v10 =	vmul.bf16 v11, v10;
	v2 =	vadd.bf16 v3, v2;
	v11 =	vmov s17  }
0x1cf: {  	v12 =	vld [tilespmem:s14+$0xFFFFFFB0];
	v8 =	vbroadcast v8, $0xF;
	v11 =	vshrl.u32 v11, $0x3;
	v7 =	vmul.bf16 v9, v7  }
0x1d0: {  	v3 =	vld [tilespmem:s16+$0xFFFFFFB0];
	v10 =	vadd.bf16 v0, v10;
	v13 =	vshll.u32 v2, $0x10;
	v2 =	vand.u32 $0xFFFF0000, v2  }
0x1d1: {  	[tilespmem:v6+s21+$0x0] =	vst.idx.msk $0x1, v8;
	v6 =	vshll.u32 v11, v1;
	v2 =	vadd.f32 v2, v13  }
0x1d2: {  	v4 =	vmul.bf16 v5, v4;
	v8 =	vld [tilespmem:s29+$0x70];
	v6 =	vadd.s32 $0x6, v6;
	v5 =	vadd.bf16 v7, v10  }
0x1d3: {  	v9 =	vld [tilespmem:s30+$0x70];
	v6 =	vbroadcast v6, $0x0  }
0x1d4: {  	v7 =	vld [tilespmem:s29+$0x60];
	(xrf2) =	vadd.scan.msk.f32 $0xffff, v2  }
0x1d5: {  	v10 =	vld [tilespmem:s29+$0x40];
	v2 =	vmul.bf16 v12, v3;
	v4 =	vadd.bf16 v4, v5  }
0x1d6: {  	v11 =	vld [tilespmem:s30+$0x40];
	v5, _, _ =	vpop (xrf2)  }
0x1d7: {  	s23 =	sadd.s32 $0xFFFFFFF9, s31;
	v13 =	vld [tilespmem:s30+$0x50];
	v2 =	vadd.bf16 v2, v4;
	v5 =	vbroadcast v5, $0xF  }
0x1d8: {  	v12 =	vld [tilespmem:s29+$0x50];
	v4 =	vmov s23  }
0x1d9: {  	v3 =	vld [tilespmem:s30+$0x60];
	v4 =	vshrl.u32 v4, $0x3;
	[tilespmem:v6+s21+$0x0] =	vst.idx.msk $0x1, v5;
	v5 =	vshll.u32 v2, $0x10;
	v2 =	vand.u32 $0xFFFF0000, v2  }
0x1da: {  	v4 =	vshll.u32 v4, v1;
	v6 =	vld [tilespmem:s16+$0xC0];
	v2 =	vadd.f32 v2, v5  }
0x1db: {  	v10 =	vmul.bf16 v11, v10;
	v4 =	vbroadcast v4, $0x0;
	v5 =	vld [tilespmem:s14+$0xC0]  }
0x1dc: {  	v14 =	vld [tilespmem:s16+$0xD0];
	(xrf2) =	vadd.scan.msk.f32 $0xffff, v2  }
0x1dd: {  	s1 =	sadd.s32 $0xFFFFFFFB, s26;
	v12 =	vmul.bf16 v13, v12;
	v10 =	vadd.bf16 v0, v10;
	v15 =	vld [tilespmem:s16+$0xE0]  }
0x1de: {  	v13 =	vmov s1;
	v16 =	vld [tilespmem:s14+$0xE0];
	v11, _, _ =	vpop (xrf2)  }
0x1df: {  	v3 =	vmul.bf16 v3, v7;
	v17 =	vld [tilespmem:s16+$0xF0];
	v10 =	vadd.bf16 v12, v10;
	v11 =	vbroadcast v11, $0xF  }
0x1e0: {  	v8 =	vmul.bf16 v9, v8;
	v13 =	vshrl.u32 v13, $0x3;
	v2 =	vld [tilespmem:s14+$0xD0]  }
0x1e1: {  	v7 =	vshll.u32 v13, v1;
	v3 =	vadd.bf16 v3, v10;
	[tilespmem:v4+s21+$0x0] =	vst.idx.msk $0x1, v11;
	v11 =	vld [tilespmem:s14+$0xF0]  }
0x1e2: {  	v4 =	vadd.s32 $0x2, v7;
	v7 =	vld [tilespmem:s29+$0xFFFFFF40]  }
0x1e3: {  	v3 =	vadd.bf16 v8, v3;
	v4 =	vbroadcast v4, $0x0;
	v9 =	vld [tilespmem:s30+$0xFFFFFF40]  }
0x1e4: {  	v10 =	vld [tilespmem:s29+$0xFFFFFF50]  }
0x1e5: {  	v8 =	vld [tilespmem:s30+$0xFFFFFF50];
	v13 =	vshll.u32 v3, $0x10;
	v3 =	vand.u32 $0xFFFF0000, v3  }
0x1e6: {  	v12 =	vld [tilespmem:s29+$0xFFFFFF60];
	v3 =	vadd.f32 v3, v13;
	v18, _, _ =	vpop (xrf2)  }
0x1e7: {  	v5 =	vmul.bf16 v5, v6;
	v19 =	vld [tilespmem:s30+$0xFFFFFF60];
	v13 =	vbroadcast v18, $0xF  }
0x1e8: {  	v6 =	vmul.bf16 v9, v7;
	v7 =	vld [tilespmem:s30+$0xFFFFFF70];
	(xrf2) =	vadd.scan.msk.f32 $0xffff, v3  }
0x1e9: {  	v2 =	vmul.bf16 v2, v14;
	v18 =	vld [tilespmem:s29+$0xFFFFFF70];
	[tilespmem:v4+s21+$0x0] =	vst.idx.msk $0x1, v13;
	v4 =	vadd.bf16 v0, v5  }
0x1ea: {  	s4 =	sadd.s32 $0xFFFFFFFE, s31;
	v8 =	vmul.bf16 v8, v10;
	v5 =	vadd.bf16 v0, v6  }
0x1eb: {  	v9 =	vmul.bf16 v16, v15;
	v10 =	vmov s4;
	v2 =	vadd.bf16 v2, v4  }
0x1ec: {  	s0 =	simm.s32 $0xC940;
	v12 =	vmul.bf16 v19, v12;
	v10 =	vshrl.u32 v10, $0x3;
	v8 =	vadd.bf16 v8, v5  }
0x1ed: {  	s13 =	simm.s32 $0xDD40;
	v10 =	vshll.u32 v10, v1;
	v2 =	vadd.bf16 v9, v2;
	v9 =	vmul.bf16 v11, v17;
	v11 =	vld [tilespmem:s0+$0x0]  }
0x1ee: {  	v10 =	vadd.s32 $0x5, v10;
	v7 =	vmul.bf16 v7, v18;
	v8 =	vadd.bf16 v12, v8;
	v12 =	vld [tilespmem:s13+$0x0]  }
0x1ef: {  	v13 =	vld [tilespmem:s0+$0x10];
	v10 =	vbroadcast v10, $0x0  }
0x1f0: {  	v2 =	vadd.bf16 v9, v2;
	v7 =	vadd.bf16 v7, v8;
	v8 =	vld [tilespmem:s13+$0x10]  }
0x1f1: {  	v17 =	vld [tilespmem:s13+$0x20]  }
0x1f2: {  	v9 =	vld [tilespmem:s0+$0x20];
	v16, _, _ =	vpop (xrf2);
	v14 =	vshll.u32 v2, $0x10;
	v2 =	vand.u32 $0xFFFF0000, v2;
	v15 =	vshll.u32 v7, $0x10  }
0x1f3: {  	v7 =	vand.u32 $0xFFFF0000, v7;
	v16 =	vbroadcast v16, $0xF;
	v11 =	vmul.bf16 v12, v11;
	v12 =	vld [tilespmem:s0+$0x30]  }
0x1f4: {  	v2 =	vadd.f32 v2, v14;
	v7 =	vadd.f32 v7, v15;
	v14 =	vld [tilespmem:s13+$0x30]  }
0x1f5: {  	v3 =	vld [tilespmem:s16+$0xFFFFFFC0];
	[tilespmem:v10+s21+$0x0] =	vst.idx.msk $0x1, v16;
	v11 =	vadd.bf16 v0, v11;
	v8 =	vmul.bf16 v8, v13  }
0x1f6: {  	(xrf2) =	vadd.scan.msk.f32 $0xffff, v2;
	v2 =	vld [tilespmem:s29+$0x80]  }
0x1f7: {  	v10 =	vld [tilespmem:s29+$0x90];
	(xrf2) =	vadd.scan.msk.f32 $0xffff, v7;
	v7 =	vadd.bf16 v8, v11;
	v8 =	vmul.bf16 v17, v9  }
0x1f8: {  	v9 =	vld [tilespmem:s30+$0x80]  }
0x1f9: {  	v7 =	vadd.bf16 v8, v7;
	v8 =	vmul.bf16 v14, v12;
	v12 =	vld [tilespmem:s30+$0x90]  }
0x1fa: {  	s5 =	sadd.s32 $0xFFFFFFFA, s31;
	v15 =	vld [tilespmem:s13+$0xFFFFFF00]  }
0x1fb: {  	v13 =	vld [tilespmem:s29+$0xA0];
	v11 =	vmov s5  }
0x1fc: {  	v11 =	vshrl.u32 v11, $0x3;
	v7 =	vadd.bf16 v8, v7;
	v8 =	vld [tilespmem:s30+$0xA0]  }
0x1fd: {  	v16 =	vld [tilespmem:s30+$0xB0];
	v11 =	vshll.u32 v11, v1;
	v2 =	vmul.bf16 v9, v2  }
0x1fe: {  	v11 =	vadd.s32 $0x1, v11;
	v9 =	vld [tilespmem:s29+$0xB0];
	v14 =	vshll.u32 v7, $0x10;
	v10 =	vmul.bf16 v12, v10  }
0x1ff: {  	v17 =	vld [tilespmem:s0+$0xFFFFFF00];
	v11 =	vbroadcast v11, $0x0;
	v7 =	vand.u32 $0xFFFF0000, v7;
	v2 =	vadd.bf16 v0, v2  }
0x200: {  	v18 =	vld [tilespmem:s13+$0xFFFFFF10];
	v7 =	vadd.f32 v7, v14  }
0x201: {  	v12 =	vld [tilespmem:s0+$0xFFFFFF10];
	v14, _, _ =	vpop (xrf2);
	v2 =	vadd.bf16 v10, v2;
	v8 =	vmul.bf16 v8, v13  }
0x202: {  	v6 =	vld [tilespmem:s14+$0xFFFFFFC0];
	(xrf2) =	vadd.scan.msk.f32 $0xffff, v7;
	v10, _, _ =	vpop (xrf2)  }
0x203: {  	s1 =	sadd.s32 $0x8, s31;
	v13 =	vld [tilespmem:s0+$0xFFFFFF20];
	v2 =	vadd.bf16 v8, v2;
	v8 =	vmul.bf16 v16, v9;
	v7 =	vbroadcast v10, $0xF  }
0x204: {  	s6 =	sadd.s32 $0xFFFFFFFD, s1;
	v9 =	vmul.bf16 v15, v17;
	v10 =	vld [tilespmem:s13+$0xFFFFFF20]  }
0x205: {  	v15 =	vld [tilespmem:s0+$0xFFFFFF30];
	v2 =	vadd.bf16 v8, v2;
	[tilespmem:v11+s21+$0x0] =	vst.idx.msk $0x1, v7;
	v11 =	vmov s6  }
0x206: {  	v8 =	vadd.bf16 v0, v9;
	v9 =	vmul.bf16 v18, v12;
	v7 =	vld [tilespmem:s13+$0xFFFFFF30];
	v11 =	vshrl.u32 v11, $0x3  }
0x207: {  	v12 =	vld [tilespmem:s29+$0xFFFFFF80];
	v17 =	vshll.u32 v2, $0x10;
	v2 =	vand.u32 $0xFFFF0000, v2;
	v11 =	vshll.u32 v11, v1  }
0x208: {  	s12 =	sadd.s32 $0xFFFFFFFC, s26;
	v16 =	vld [tilespmem:s30+$0xFFFFFF80];
	v8 =	vadd.bf16 v9, v8;
	v2 =	vadd.f32 v2, v17;
	v11 =	vadd.s32 $0x4, v11  }
0x209: {  	v4 =	vld [tilespmem:s16+$0xFFFFFFD0];
	v9 =	vmul.bf16 v10, v13;
	v13 =	vmov s12;
	v10 =	vbroadcast v11, $0x0  }
0x20a: {  	v18 =	vld [tilespmem:s29+$0xFFFFFF90];
	(xrf2) =	vadd.scan.msk.f32 $0xffff, v2  }
0x20b: {  	s17 =	sadd.s32 $0xFFFFFFFF, s31;
	v11 =	vld [tilespmem:s30+$0xFFFFFF90];
	v7 =	vmul.bf16 v7, v15;
	v8 =	vadd.bf16 v9, v8  }
0x20c: {  	v19 =	vmov s17;
	v17 =	vld [tilespmem:s29+$0xFFFFFFA0];
	v2 =	vshrl.u32 v13, $0x3;
	v13, _, _ =	vpop (xrf2)  }
0x20d: {  	s5 =	sadd.s32 $0xFFFFFFFB, s31;
	v9 =	vld [tilespmem:s30+$0xFFFFFFA0];
	v12 =	vmul.bf16 v16, v12;
	v7 =	vadd.bf16 v7, v8;
	v8 =	vbroadcast v13, $0xF  }
0x20e: {  	v47 =	vmov s5;
	v15 =	vld [tilespmem:s29+$0xFFFFFFB0];
	v16 =	vshrl.u32 v19, $0x3  }
0x20f: {  	v13 =	vld [tilespmem:s30+$0xFFFFFFB0];
	v12 =	vadd.bf16 v0, v12;
	v48 =	vshll.u32 v7, $0x10;
	[tilespmem:v10+s21+$0x0] =	vst.idx.msk $0x1, v8;
	v8 =	vshll.u32 v16, v1  }
0x210: {  	s23 =	sadd.s32 $0xFFFFFFFC, s31;
	v5 =	vld [tilespmem:s14+$0xFFFFFFD0];
	v7 =	vand.u32 $0xFFFF0000, v7;
	v11 =	vmul.bf16 v11, v18;
	v8 =	vadd.s32 $0x6, v8  }
0x211: {  	v19 =	vld [tilespmem:s16+$0xFFFFFFE0];
	v18 =	vmov s23;
	v7 =	vadd.f32 v7, v48;
	v8 =	vbroadcast v8, $0x0  }
0x212: {  	v16 =	vshrl.u32 v47, $0x3;
	v9 =	vmul.bf16 v9, v17;
	v51 =	vld [tilespmem:s0+$0x60];
	v11 =	vadd.bf16 v11, v12  }
0x213: {  	v53 =	vmov s26;
	v6 =	vmul.bf16 v6, v3;
	v16 =	vshll.u32 v16, v1;
	v17 =	vld [tilespmem:s13+$0x60];
	(xrf2) =	vadd.scan.msk.f32 $0xffff, v7  }
0x214: {  	v52 =	vld [tilespmem:s13+$0x40];
	v7 =	vshrl.u32 v18, $0x3;
	v13 =	vmul.bf16 v13, v15;
	v9 =	vadd.bf16 v9, v11;
	v18, _, _ =	vpop (xrf2)  }
0x215: {  	v4 =	vmul.bf16 v5, v4;
	s5 =	sadd.s32 $0xFFFFFFF9, s1;
	v54 =	vld [tilespmem:s13+$0x50];
	v12 =	vadd.s32 $0x2, v16;
	v11 =	vbroadcast v18, $0xF  }
0x216: {  	v16 =	vld [tilespmem:s0+$0x50];
	v18 =	vbroadcast v12, $0x0;
	v12 =	vmov s5;
	v9 =	vadd.bf16 v13, v9  }
0x217: {  	v6 =	vadd.bf16 v0, v6;
	v15 =	vld [tilespmem:s0+$0x40];
	v7 =	vshll.u32 v7, v1;
	v12 =	vshrl.u32 v12, $0x3;
	[tilespmem:v8+s21+$0x0] =	vst.idx.msk $0x1, v11  }
0x218: {  	v7 =	vadd.s32 $0x3, v7;
	v3 =	vshll.u32 v12, v1;
	v13 =	vshll.u32 v9, $0x10;
	v11 =	vld [tilespmem:s29+$0xC0]  }
0x219: {  	v9 =	vand.u32 $0xFFFF0000, v9;
	v8 =	vshrl.u32 v53, $0x3;
	v12 =	vbroadcast v3, $0x0;
	v55 =	vld [tilespmem:s30+$0xC0]  }
0x21a: {  	v3 =	vbroadcast v7, $0x0;
	v7 =	vshll.u32 v8, v1;
	v8 =	vadd.f32 v9, v13;
	v9 =	vld [tilespmem:s29+$0xD0]  }
0x21b: {  	s6 =	sadd.s32 $0xFFFFFFFA, s1;
	v5 =	vld [tilespmem:s30+$0xD0]  }
0x21c: {  	v26 =	vadd.bf16 v4, v6;
	v4 =	vmov s6;
	v56 =	vld [tilespmem:s29+$0xE0]  }
0x21d: {  	v4 =	vshrl.u32 v4, $0x3;
	v13 =	vmul.bf16 v52, v15;
	(xrf2) =	vadd.scan.msk.f32 $0xffff, v8;
	v8 =	vld [tilespmem:s30+$0xE0];
	v15, _, _ =	vpop (xrf2)  }
0x21e: {  	v4 =	vshll.u32 v4, v1;
	v49 =	vld [tilespmem:s0+$0x70];
	v7 =	vadd.s32 $0x7, v7;
	v6 =	vbroadcast v15, $0xF  }
0x21f: {  	v50 =	vld [tilespmem:s13+$0x70];
	v7 =	vbroadcast v7, $0x0;
	v13 =	vadd.bf16 v0, v13;
	v15 =	vmul.bf16 v54, v16  }
0x220: {  	s12 =	sadd.s32 $0xFFFFFFFB, s1;
	v4 =	vadd.s32 $0x1, v4;
	v16 =	vld [tilespmem:s29+$0xF0];
	v5 =	vmul.bf16 v5, v9;
	[tilespmem:v12+s21+$0x0] =	vst.idx.msk $0x1, v6;
	v6 =	vmul.bf16 v55, v11  }
0x221: {  	v11 =	vld [tilespmem:s30+$0xF0];
	v12 =	vadd.bf16 v15, v13;
	v13 =	vmov s12;
	v15 =	vmul.bf16 v17, v51  }
0x222: {  	v10 =	vld [tilespmem:s14+$0xFFFFFFE0];
	v13 =	vshrl.u32 v13, $0x3;
	v8 =	vmul.bf16 v8, v56;
	v57 =	vadd.bf16 v0, v6  }
0x223: {  	v17 =	vld [tilespmem:s0+$0xFFFFFF40];
	v13 =	vshll.u32 v13, v1;
	v12 =	vadd.bf16 v15, v12;
	v6 =	vbroadcast v4, $0x0  }
0x224: {  	v9 =	vld [tilespmem:s13+$0xFFFFFF40];
	v4 =	vadd.s32 $0x2, v13;
	v13 =	vmul.bf16 v50, v49;
	v5 =	vadd.bf16 v5, v57  }
0x225: {  	v58 =	vld [tilespmem:s13+$0xFFFFFF50]  }
0x226: {  	s17 =	sadd.s32 $0xFFFFFFFC, s1;
	v15 =	vld [tilespmem:s0+$0xFFFFFF50];
	v13 =	vadd.bf16 v13, v12;
	v5 =	vadd.bf16 v8, v5;
	v8 =	vmul.bf16 v11, v16  }
0x227: {  	v59 =	vmov s17;
	v14 =	vbroadcast v14, $0xF;
	v19 =	vmul.bf16 v10, v19;
	v60 =	vld [tilespmem:s0+$0xFFFFFF60]  }
0x228: {  	v10 =	vld [tilespmem:s13+$0xFFFFFF60];
	v62 =	vshll.u32 v13, $0x10;
	v5 =	vadd.bf16 v8, v5;
	v8 =	vand.u32 $0xFFFF0000, v13  }
0x229: {  	v21 =	vshrl.u32 v59, $0x3;
	[tilespmem:v7+s21+$0x0] =	vst.idx.msk $0x1, v14;
	v11 =	vld [tilespmem:s0+$0xFFFFFF70];
	v12, _, _ =	vpop (xrf2);
	v14 =	vadd.f32 v8, v62  }
0x22a: {  	v2 =	vshll.u32 v2, v1;
	v9 =	vmul.bf16 v9, v17;
	v17 =	vld [tilespmem:s13+$0xFFFFFF70];
	v61 =	vbroadcast v12, $0xF  }
0x22b: {  	v12 =	vld [tilespmem:s16+$0xFFFFFFF0];
	v15 =	vmul.bf16 v58, v15;
	v7 =	vshll.u32 v5, $0x10;
	v5 =	vand.u32 $0xFFFF0000, v5;
	(xrf2) =	vadd.scan.msk.f32 $0xffff, v14  }
0x22c: {  	v2 =	vadd.s32 $0x3, v2;
	v9 =	vadd.bf16 v0, v9;
	v13 =	vld [tilespmem:s14+$0xFFFFFFF0];
	[tilespmem:v18+s21+$0x0] =	vst.idx.msk $0x1, v61;
	v18 =	vadd.f32 v5, v7  }
0x22d: {  	v2 =	vbroadcast v2, $0x0;
	v4 =	vbroadcast v4, $0x0;
	v16 =	vshll.u32 v21, v1;
	v8 =	vld [tilespmem:s29+$0xFFFFFFC0]  }
0x22e: {  	s23 =	sadd.s32 $0xFFFFFFFE, s1;
	v63 =	vmul.bf16 v10, v60;
	v16 =	vadd.s32 $0x3, v16;
	v15 =	vadd.bf16 v15, v9;
	v10 =	vld [tilespmem:s30+$0xFFFFFFC0];
	(xrf2) =	vadd.scan.msk.f32 $0xffff, v18  }
0x22f: {  	s28 =	sadd.s32 $0x1, s28;
	v9 =	vld [tilespmem:s29+$0xFFFFFFD0];
	v7 =	vadd.bf16 v19, v26;
	v5 =	vbroadcast v16, $0x0;
	v16 =	vmov s23  }
0x230: {  	s17 =	simm.s32 $0xCB40;
	s16 =	simm.s32 $0x4;
	s14 =	simm.s32 $0xDD40;
	v14 =	vmul.bf16 v17, v11;
	v11 =	vld [tilespmem:s30+$0xFFFFFFD0];
	v15 =	vadd.bf16 v63, v15;
	v16 =	vshrl.u32 v16, $0x3  }
.LBB2_6:
0x231: {  	v17 =	vld [tilespmem:s17+$0x0];
	v16 =	vshll.u32 v16, v1;
	s13 =	sadd.s32 $0x200, s13;
	v18 =	vmov s31;
	v12 =	vmul.bf16 v13, v12;
	s31 =	smov.u32 s1  }
0x232: {  	v13 =	vld [tilespmem:s13+$0x0];
	v14 =	vadd.bf16 v14, v15;
	v15 =	vadd.s32 $0x5, v16;
	v16 =	vshrl.u32 v18, $0x3  }
0x233: {  	v18 =	vld [tilespmem:s17+$0x10];
	v15 =	vbroadcast v15, $0x0;
	v8 =	vmul.bf16 v10, v8;
	v10 =	vshll.u32 v16, v1  }
0x234: {  	v16 =	vld [tilespmem:s13+$0x10];
	v21 =	vshll.u32 v14, $0x10;
	v14 =	vand.u32 $0xFFFF0000, v14;
	v10 =	vadd.s32 $0x7, v10  }
0x235: {  	v20 =	vld [tilespmem:s17+$0x20];
	v14 =	vadd.f32 v14, v21;
	v19, _, _ =	vpop (xrf2);
	v22 =	vadd.bf16 v0, v8;
	v10 =	vbroadcast v10, $0x0  }
0x236: {  	v9 =	vmul.bf16 v11, v9;
	v11 =	vadd.bf16 v12, v7;
	v21 =	vld [tilespmem:s13+$0x20]  }
0x237: {  	v12 =	vmul.bf16 v13, v17;
	v13 =	vld [tilespmem:s17+$0x30];
	v17 =	vbroadcast v19, $0xF;
	(xrf2) =	vadd.scan.msk.f32 $0xffff, v14  }
0x238: {  	v7 =	vadd.bf16 v9, v22;
	v9 =	vshll.u32 v11, $0x10;
	v11 =	vand.u32 $0xFFFF0000, v11;
	v14 =	vld [tilespmem:s13+$0x30];
	v8, _, _ =	vpop (xrf2)  }
0x239: {  	v19 =	vld [tilespmem:s13+$0xFFFFFF00];
	v12 =	vadd.bf16 v0, v12;
	v16 =	vmul.bf16 v16, v18;
	[tilespmem:v15+s21+$0x0] =	vst.idx.msk $0x1, v17;
	v8 =	vbroadcast v8, $0xF  }
0x23a: {  	v9 =	vadd.f32 v11, v9;
	v15 =	vld [tilespmem:s0+$0x80]  }
0x23b: {  	v11 =	vadd.bf16 v16, v12;
	v12 =	vmul.bf16 v21, v20;
	v16 =	vld [tilespmem:s14+$0x80];
	[tilespmem:v10+s21+$0x0] =	vst.idx.msk $0x1, v8  }
0x23c: {  	s16 =	sadd.s32 $0x2, s16;
	v8 =	vld [tilespmem:s0+$0x90];
	(xrf2) =	vadd.scan.msk.f32 $0xffff, v9  }
0x23d: {  	p0 =	slt.u32 s16, $0x12;
	v9 =	vadd.bf16 v12, v11;
	v10 =	vmul.bf16 v14, v13;
	v11 =	vld [tilespmem:s14+$0x90]  }
0x23e: {  	v12 =	vld [tilespmem:s0+$0xA0]  }
0x23f: {  	v9 =	vadd.bf16 v10, v9;
	v10 =	vld [tilespmem:s14+$0xA0]  }
0x240: {  	v13 =	vmul.bf16 v16, v15;
	v14 =	vld [tilespmem:s0+$0xB0]  }
0x241: {  	v15 =	vshll.u32 v9, $0x10;
	v16 =	vld [tilespmem:s14+$0xB0];
	v17, _, _ =	vpop (xrf2)  }
0x242: {  	v9 =	vand.u32 $0xFFFF0000, v9;
	v18 =	vld [tilespmem:s17+$0xFFFFFF00];
	v13 =	vadd.bf16 v0, v13;
	v8 =	vmul.bf16 v11, v8  }
0x243: {  	v9 =	vadd.f32 v9, v15;
	v15 =	vbroadcast v17, $0xF;
	v11 =	vld [tilespmem:s17+$0xFFFFFF10]  }
0x244: {  	v17 =	vld [tilespmem:s13+$0xFFFFFF10];
	v8 =	vadd.bf16 v8, v13;
	v13 =	vmul.bf16 v10, v12  }
0x245: {  	v12 =	vld [tilespmem:s17+$0xFFFFFF20];
	(xrf2) =	vadd.scan.msk.f32 $0xffff, v9;
	[tilespmem:v6+s21+$0x0] =	vst.idx.msk $0x1, v15  }
0x246: {  	s1 =	sadd.s32 $0x8, s1;
	v6 =	vld [tilespmem:s13+$0xFFFFFF20];
	v8 =	vadd.bf16 v13, v8;
	v9 =	vmul.bf16 v16, v14;
	v10, _, _ =	vpop (xrf2)  }
0x247: {  	s4 =	sadd.s32 $0xFFFFFFF9, s1;
	s5 =	sadd.s32 $0xFFFFFFFA, s1;
	s6 =	sadd.s32 $0xFFFFFFFD, s1;
	v13 =	vmul.bf16 v19, v18;
	v14 =	vld [tilespmem:s17+$0xFFFFFF30];
	v10 =	vbroadcast v10, $0xF  }
0x248: {  	s12 =	sadd.s32 $0xFFFFFFFC, s1;
	v16 =	vmov s4;
	s4 =	sadd.s32 $0xFFFFFFFB, s1;
	v18 =	vmov s6;
	v15 =	vld [tilespmem:s13+$0xFFFFFF30];
	v8 =	vadd.bf16 v9, v8  }
0x249: {  	v9 =	vadd.bf16 v0, v13;
	v11 =	vmul.bf16 v17, v11;
	v13 =	vshrl.u32 v18, $0x3;
	v17 =	vld [tilespmem:s0+$0xFFFFFF80];
	[tilespmem:v2+s21+$0x0] =	vst.idx.msk $0x1, v10  }
0x24a: {  	v2 =	vmovc v3;
	v3 =	vmovc v5;
	v10 =	vshll.u32 v13, v1;
	v13 =	vld [tilespmem:s14+$0xFFFFFF80];
	v18 =	vshll.u32 v8, $0x10;
	v8 =	vand.u32 $0xFFFF0000, v8  }
0x24b: {  	v5 =	vadd.bf16 v11, v9;
	v9 =	vadd.s32 $0x4, v10;
	v10 =	vld [tilespmem:s0+$0xFFFFFF90];
	v8 =	vadd.f32 v8, v18  }
0x24c: {  	v6 =	vmul.bf16 v6, v12;
	v11 =	vshrl.u32 v16, $0x3;
	v9 =	vbroadcast v9, $0x0;
	v12 =	vld [tilespmem:s14+$0xFFFFFF90]  }
0x24d: {  	v11 =	vshll.u32 v11, v1;
	v14 =	vmul.bf16 v15, v14;
	v15 =	vmov s5;
	v16 =	vld [tilespmem:s0+$0xFFFFFFA0];
	(xrf2) =	vadd.scan.msk.f32 $0xffff, v8  }
0x24e: {  	v5 =	vadd.bf16 v6, v5;
	v8 =	vbroadcast v11, $0x0;
	v6 =	vshrl.u32 v15, $0x3;
	v11 =	vld [tilespmem:s14+$0xFFFFFFA0]  }
0x24f: {  	v15 =	vmov s4;
	s4 =	sadd.s32 $0xFFFFFFFF, s31;
	v6 =	vshll.u32 v6, v1;
	v18, _, _ =	vpop (xrf2);
	v13 =	vmul.bf16 v13, v17;
	v17 =	vld [tilespmem:s0+$0xFFFFFFB0]  }
0x250: {  	v5 =	vadd.bf16 v14, v5;
	v19 =	vmov s4;
	v14 =	vbroadcast v18, $0xF;
	v18 =	vld [tilespmem:s14+$0xFFFFFFB0]  }
0x251: {  	v6 =	vadd.s32 $0x1, v6;
	v19 =	vshrl.u32 v19, $0x3;
	v13 =	vadd.bf16 v0, v13;
	v20 =	vld [tilespmem:s29+$0xFFFFFFE0]  }
0x252: {  	v21 =	vshll.u32 v5, $0x10;
	v5 =	vand.u32 $0xFFFF0000, v5;
	[tilespmem:v9+s21+$0x0] =	vst.idx.msk $0x1, v14;
	v9 =	vshll.u32 v19, v1;
	v14 =	vld [tilespmem:s30+$0xFFFFFFE0]  }
0x253: {  	v6 =	vbroadcast v6, $0x0;
	v5 =	vadd.f32 v5, v21;
	v19 =	vld [tilespmem:s17+$0x70];
	v9 =	vadd.s32 $0x6, v9  }
0x254: {  	v15 =	vshrl.u32 v15, $0x3;
	v10 =	vmul.bf16 v12, v10;
	v21 =	vld [tilespmem:s13+$0x70];
	v9 =	vbroadcast v9, $0x0  }
0x255: {  	v12 =	vshll.u32 v15, v1;
	v15 =	vld [tilespmem:s17+$0x60];
	(xrf2) =	vadd.scan.msk.f32 $0xffff, v5;
	v5 =	vmul.bf16 v11, v16;
	v11 =	vmul.bf16 v18, v17  }
0x256: {  	v22 =	vmov s12;
	v12 =	vadd.s32 $0x2, v12;
	v10 =	vadd.bf16 v10, v13;
	v17 =	vld [tilespmem:s13+$0x60]  }
0x257: {  	v18 =	vbroadcast v12, $0x0;
	v12 =	vshrl.u32 v22, $0x3;
	v13 =	vld [tilespmem:s17+$0x50];
	v16, _, _ =	vpop (xrf2);
	v14 =	vmul.bf16 v14, v20  }
0x258: {  	v12 =	vshll.u32 v12, v1;
	v10 =	vadd.bf16 v5, v10;
	v20 =	vld [tilespmem:s17+$0x40];
	v16 =	vbroadcast v16, $0xF  }
0x259: {  	v5 =	vadd.s32 $0x3, v12;
	v12 =	vld [tilespmem:s13+$0x40];
	v7 =	vadd.bf16 v14, v7  }
0x25a: {  	v5 =	vbroadcast v5, $0x0;
	v10 =	vadd.bf16 v11, v10;
	v14 =	vld [tilespmem:s13+$0x50];
	[tilespmem:v9+s21+$0x0] =	vst.idx.msk $0x1, v16  }
0x25b: {  	v9 =	vld [tilespmem:s0+$0xC0]  }
0x25c: {  	v11 =	vshll.u32 v10, $0x10;
	v10 =	vand.u32 $0xFFFF0000, v10;
	v16 =	vld [tilespmem:s14+$0xC0]  }
0x25d: {  	v10 =	vadd.f32 v10, v11;
	v11 =	vld [tilespmem:s0+$0xD0]  }
0x25e: {  	v12 =	vmul.bf16 v12, v20;
	v20 =	vld [tilespmem:s14+$0xD0]  }
0x25f: {  	v22, _, _ =	vpop (xrf2);
	v23 =	vld [tilespmem:s0+$0xE0];
	(xrf2) =	vadd.scan.msk.f32 $0xffff, v10  }
0x260: {  	v13 =	vmul.bf16 v14, v13;
	v10 =	vbroadcast v22, $0xF;
	v12 =	vadd.bf16 v0, v12;
	v14 =	vld [tilespmem:s14+$0xE0]  }
0x261: {  	v9 =	vmul.bf16 v16, v9;
	v16 =	vld [tilespmem:s0+$0xF0]  }
0x262: {  	[tilespmem:v8+s21+$0x0] =	vst.idx.msk $0x1, v10;
	v8 =	vadd.bf16 v13, v12;
	v10 =	vmul.bf16 v17, v15;
	v12 =	vld [tilespmem:s14+$0xF0]  }
0x263: {  	v13 =	vld [tilespmem:s17+$0xFFFFFF40];
	v9 =	vadd.bf16 v0, v9;
	v11 =	vmul.bf16 v20, v11  }
0x264: {  	v15 =	vld [tilespmem:s13+$0xFFFFFF40];
	v8 =	vadd.bf16 v10, v8;
	v10 =	vmul.bf16 v21, v19  }
0x265: {  	v17 =	vld [tilespmem:s17+$0xFFFFFF50];
	v9 =	vadd.bf16 v11, v9;
	v11 =	vmul.bf16 v14, v23  }
0x266: {  	v14 =	vld [tilespmem:s13+$0xFFFFFF50];
	v8 =	vadd.bf16 v10, v8  }
0x267: {  	v10 =	vld [tilespmem:s17+$0xFFFFFF60];
	v9 =	vadd.bf16 v11, v9;
	v19 =	vmul.bf16 v12, v16  }
0x268: {  	v16 =	vld [tilespmem:s13+$0xFFFFFF60];
	v12 =	vshll.u32 v8, $0x10;
	v8 =	vand.u32 $0xFFFF0000, v8  }
0x269: {  	v13 =	vmul.bf16 v15, v13;
	v15 =	vld [tilespmem:s17+$0xFFFFFF70];
	v8 =	vadd.f32 v8, v12;
	v9 =	vadd.bf16 v19, v9;
	v11, _, _ =	vpop (xrf2)  }
0x26a: {  	v19 =	vld [tilespmem:s13+$0xFFFFFF70];
	v11 =	vbroadcast v11, $0xF  }
0x26b: {  	v20 =	vadd.bf16 v0, v13;
	(xrf2) =	vadd.scan.msk.f32 $0xffff, v8;
	v8 =	vshll.u32 v9, $0x10;
	v9 =	vand.u32 $0xFFFF0000, v9;
	v12 =	vld [tilespmem:s29+$0xFFFFFFF0];
	s29 =	smov.u32 s0;
	s0 =	smov.u32 s17  }
.Ltmp1:
0x26c: {  	v14 =	vmul.bf16 v14, v17;
	[tilespmem:v4+s21+$0x0] =	vst.idx.msk $0x1, v11;
	v9 =	vadd.f32 v9, v8;
	v13 =	vld [tilespmem:s30+$0xFFFFFFF0];
	v4 =	vmov v18;
	s30 =	smov.u32 s14;
	s14 =	smov.u32 s13;
	(pc) =	sbr.rel @p0 .LBB2_6-.Ltmp1, $4  }
0x26d: {  	v11 =	vmul.bf16 v16, v10;
	v8 =	vld [tilespmem:s29+$0xFFFFFFC0]  }
0x26e: {  	s4 =	sadd.s32 $0xFFFFFFFE, s1;
	v16 =	vadd.bf16 v14, v20;
	v10 =	vld [tilespmem:s30+$0xFFFFFFC0];
	(xrf2) =	vadd.scan.msk.f32 $0xffff, v9  }
0x26f: {  	v17 =	vmov s4;
	v14 =	vmul.bf16 v19, v15;
	v9 =	vld [tilespmem:s29+$0xFFFFFFD0]  }
0x270: {  	s17 =	sadd.s32 $0x200, s17;
	v15 =	vadd.bf16 v11, v16;
	v16 =	vshrl.u32 v17, $0x3;
	v11 =	vld [tilespmem:s30+$0xFFFFFFD0]  }
0x271: {  	_ = 	snop  }
0x272: {  	v16 =	vshll.u32 v16, v1;
	v14 =	vadd.bf16 v14, v15  }
0x273: {  	v36 =	vadd.s32 $0x5, v16  }
0x274: {  	v15 =	vbroadcast v36, $0x0;
	v37 =	vshll.u32 v14, $0x10;
	v14 =	vand.u32 $0xFFFF0000, v14  }
0x275: {  	v14 =	vadd.f32 v14, v37;
	_ =	sdelay $0x1  }
0x276: {  	v38, _, _ =	vpop (xrf2);
	(xrf2) =	vadd.scan.msk.f32 $0xffff, v14  }
0x277: {  	v39 =	vbroadcast v38, $0xF;
	_ =	sdelay $0x1  }
0x278: {  	[tilespmem:v15+s21+$0x0] =	vst.idx.msk $0x1, v39  }
0x279: {  	v14 =	vld [tilespmem:s0+$0x80]  }
0x27a: {  	v15 =	vld [tilespmem:s14+$0x80]  }
0x27b: {  	v40 =	vld [tilespmem:s0+$0x90]  }
0x27c: {  	v17 =	vld [tilespmem:s14+$0x90]  }
0x27d: {  	v18 =	vld [tilespmem:s0+$0xA0]  }
0x27e: {  	v19, _, _ =	vpop (xrf2);
	v20 =	vld [tilespmem:s14+$0xA0]  }
0x27f: {  	v41 =	vld [tilespmem:s0+$0xB0];
	v14 =	vmul.bf16 v15, v14;
	v21, _, _ =	vpop (xrf2)  }
0x280: {  	v22 =	vld [tilespmem:s14+$0xB0];
	v21 =	vbroadcast v21, $0xF  }
0x281: {  	v16 =	vmul.bf16 v17, v40;
	v14 =	vadd.bf16 v0, v14  }
0x282: {  	[tilespmem:v6+s21+$0x0] =	vst.idx.msk $0x1, v21  }
0x283: {  	v42 =	vmul.bf16 v13, v12;
	v44 =	vmul.bf16 v20, v18;
	v43 =	vadd.bf16 v16, v14;
	v45 =	vld [tilespmem:s0+$0xFFFFFF80]  }
0x284: {  	v46 =	vld [tilespmem:s14+$0xFFFFFF80]  }
0x285: {  	v48 =	vmul.bf16 v22, v41;
	v6 =	vadd.bf16 v42, v7;
	v47 =	vadd.bf16 v44, v43;
	v49 =	vld [tilespmem:s0+$0xFFFFFF90]  }
0x286: {  	v50 =	vld [tilespmem:s14+$0xFFFFFF90]  }
0x287: {  	v52 =	vld [tilespmem:s0+$0xFFFFFFA0];
	v51 =	vshll.u32 v6, $0x10;
	v6 =	vand.u32 $0xFFFF0000, v6;
	v7 =	vadd.bf16 v48, v47  }
0x288: {  	v53 =	vld [tilespmem:s14+$0xFFFFFFA0];
	v6 =	vadd.f32 v6, v51  }
0x289: {  	v55 =	vld [tilespmem:s0+$0xFFFFFFB0];
	v54 =	vshll.u32 v7, $0x10;
	v7 =	vand.u32 $0xFFFF0000, v7;
	v14 =	vmul.bf16 v46, v45  }
0x28a: {  	v56 =	vld [tilespmem:s14+$0xFFFFFFB0];
	v7 =	vadd.f32 v7, v54  }
0x28b: {  	(xrf2) =	vadd.scan.msk.f32 $0xffff, v6;
	v13 =	vmul.bf16 v50, v49;
	v57 =	vadd.bf16 v0, v14  }
0x28c: {  	(xrf2) =	vadd.scan.msk.f32 $0xffff, v7  }
0x28d: {  	v58 =	vmul.bf16 v53, v52;
	v6 =	vadd.bf16 v13, v57;
	_ =	sdelay $0x1  }
0x28e: {  	v60 =	vmul.bf16 v56, v55;
	v6 =	vadd.bf16 v58, v6  }
0x28f: {  	s4 =	sadd.s32 $0xFFFFFFFF, s1  }
0x290: {  	v59 =	vmov s4;
	v6 =	vadd.bf16 v60, v6  }
0x291: {  	v61 =	vshrl.u32 v59, $0x3  }
0x292: {  	v7 =	vshll.u32 v61, v1;
	v62 =	vshll.u32 v6, $0x10;
	v6 =	vand.u32 $0xFFFF0000, v6  }
0x293: {  	v7 =	vadd.s32 $0x6, v7;
	v6 =	vadd.f32 v6, v62  }
0x294: {  	v7 =	vbroadcast v7, $0x0;
	v63, _, _ =	vpop (xrf2)  }
0x295: {  	v27, _, _ =	vpop (xrf2);
	(xrf2) =	vadd.scan.msk.f32 $0xffff, v6;
	_ =	sdelay $0x1  }
0x296: {  	v29 =	vld [tilespmem:s29+$0xFFFFFFE0]  }
0x297: {  	v30 =	vld [tilespmem:s30+$0xFFFFFFE0];
	v28 =	vbroadcast v27, $0xF  }
0x298: {  	v23 =	vld [tilespmem:s29+$0xFFFFFFF0]  }
0x299: {  	v38 =	vld [tilespmem:s30+$0xFFFFFFF0];
	[tilespmem:v7+s21+$0x0] =	vst.idx.msk $0x1, v28  }
0x29a: {  	v6 =	vld [tilespmem:s0+$0xC0]  }
0x29b: {  	v7 =	vld [tilespmem:s14+$0xC0]  }
0x29c: {  	v31 =	vld [tilespmem:s0+$0xD0]  }
0x29d: {  	v32 =	vld [tilespmem:s14+$0xD0]  }
0x29e: {  	v33 =	vld [tilespmem:s0+$0xE0];
	v36, _, _ =	vpop (xrf2)  }
0x29f: {  	v34 =	vld [tilespmem:s14+$0xE0];
	v21 =	vbroadcast v36, $0xF  }
0x2a0: {  	v35 =	vld [tilespmem:s0+$0xF0]  }
0x2a1: {  	v37 =	vld [tilespmem:s14+$0xF0];
	[tilespmem:v4+s21+$0x0] =	vst.idx.msk $0x1, v21  }
0x2a2: {  	v21 =	vld [tilespmem:s0+$0xFFFFFFC0]  }
0x2a3: {  	v24 =	vld [tilespmem:s14+$0xFFFFFFC0]  }
0x2a4: {  	v25 =	vld [tilespmem:s0+$0xFFFFFFD0]  }
0x2a5: {  	v39 =	vld [tilespmem:s14+$0xFFFFFFD0]  }
0x2a6: {  	v6 =	vmul.bf16 v7, v6;
	v26 =	vld [tilespmem:s0+$0xFFFFFFE0]  }
0x2a7: {  	v8 =	vmul.bf16 v10, v8;
	v41 =	vld [tilespmem:s14+$0xFFFFFFE0]  }
0x2a8: {  	v40 =	vmul.bf16 v32, v31;
	v6 =	vadd.bf16 v0, v6;
	v43 =	vld [tilespmem:s0+$0xFFFFFFF0];
	v42 =	vmul.bf16 v24, v21  }
0x2a9: {  	v9 =	vmul.bf16 v11, v9;
	v8 =	vadd.bf16 v0, v8;
	v44 =	vmul.bf16 v34, v33;
	v45 =	vld [tilespmem:s14+$0xFFFFFFF0]  }
0x2aa: {  	v6 =	vadd.bf16 v40, v6;
	v7 =	vmul.bf16 v39, v25;
	v11 =	vadd.bf16 v0, v42  }
0x2ab: {  	v8 =	vadd.bf16 v9, v8;
	v46 =	vmul.bf16 v30, v29;
	v47 =	vmul.bf16 v37, v35  }
0x2ac: {  	v6 =	vadd.bf16 v44, v6;
	v48 =	vmul.bf16 v41, v26;
	v7 =	vadd.bf16 v7, v11  }
0x2ad: {  	v8 =	vadd.bf16 v46, v8;
	v4 =	vmul.bf16 v38, v23  }
0x2ae: {  	v6 =	vadd.bf16 v47, v6;
	v49 =	vmul.bf16 v45, v43;
	v7 =	vadd.bf16 v48, v7  }
0x2af: {  	v4 =	vadd.bf16 v4, v8  }
0x2b0: {  	v50 =	vshll.u32 v6, $0x10;
	v6 =	vand.u32 $0xFFFF0000, v6;
	v7 =	vadd.bf16 v49, v7  }
0x2b1: {  	v51 =	vshll.u32 v4, $0x10;
	v4 =	vand.u32 $0xFFFF0000, v4;
	v6 =	vadd.f32 v6, v50  }
0x2b2: {  	v4 =	vadd.f32 v4, v51;
	v52 =	vshll.u32 v7, $0x10;
	v7 =	vand.u32 $0xFFFF0000, v7  }
0x2b3: {  	(xrf2) =	vadd.scan.msk.f32 $0xffff, v6;
	v53 =	vadd.f32 v7, v52  }
0x2b4: {  	(xrf2) =	vadd.scan.msk.f32 $0xffff, v4  }
0x2b5: {  	v54 =	vmov s31;
	(xrf2) =	vadd.scan.msk.f32 $0xffff, v53  }
0x2b6: {  	v56 =	vmov s1;
	v55 =	vshrl.u32 v54, $0x3  }
0x2b7: {  	v6 =	vshrl.u32 v56, $0x3;
	v4 =	vshll.u32 v55, v1  }
0x2b8: {  	v6 =	vshll.u32 v6, v1;
	v4 =	vadd.s32 $0x7, v4  }
0x2b9: {  	v6 =	vadd.s32 $0x7, v6;
	v4 =	vbroadcast v4, $0x0  }
0x2ba: {  	v6 =	vbroadcast v6, $0x0;
	_ =	sdelay $0x1  }
0x2bb: {  	v59 =	vbroadcast v63, $0xF  }
0x2bc: {  	v57 =	vbroadcast v19, $0xF;
	v58, _, _ =	vpop (xrf2)  }
0x2bd: {  	[tilespmem:v2+s21+$0x0] =	vst.idx.msk $0x1, v59;
	v60 =	vbroadcast v58, $0xF;
	v61, _, _ =	vpop (xrf2)  }
0x2be: {  	[tilespmem:v4+s21+$0x0] =	vst.idx.msk $0x1, v57;
	v2 =	vbroadcast v61, $0xF;
	v62, _, _ =	vpop (xrf2)  }
0x2bf: {  	[tilespmem:v6+s21+$0x0] =	vst.idx.msk $0x1, v60;
	v63 =	vbroadcast v62, $0xF  }
0x2c0: {  	[tilespmem:v3+s21+$0x0] =	vst.idx.msk $0x1, v2  }
0x2c1: {  	[tilespmem:v5+s21+$0x0] =	vst.idx.msk $0x1, v63  }
0x2c2: {  	p0 =	seq.s32 s28, $0x7D  }
.Ltmp2:
0x2c3: {  	_ = 	snop;
	(pc) =	sbr.rel @!p0 .LBB2_3-.Ltmp2, $2  }
0x2c4: {  	_ =	sdelay $0x2  }
0x2c5: {  	s25 =	sadd.s32 $0xA0, s25;
	s26 =	sadd.s32 $0xA0, s26  }
0x2c6: {  	[hbm4b:s8+s2] =	stream.linear.scatter [tilespmem:s21], [sflag:$0x3], $0x2710, $0x38;
	[tilespmem:$0x13A60] =	vst v63  }
0x2c7: {  	s24 =	sadd.s32 $0x1, s24;
	_ =	swait.ge [sflag:s11], $0x2710  }
0x2c8: {  	p0 =	sne.s32 s24, s10;
	[sflag:s11] =	ssyncset.done $0x0  }
.Ltmp3:
0x2c9: {  	s0 =	simm.s32 $0x11350;
	[sflag:s11] =	ssyncadd.s32 $0xFFFFD8F0;
	(pc) =	sbr.rel @p0 .LBB2_1-.Ltmp3, $4  }
0x2ca: {  	[hbm4b:s9+s2] =	stream.linear.scatter [tilespmem:s0], [sflag:$0x3], $0x2710, $0x38;
	[tilespmem:$0x13A60] =	vst v63  }
0x2cb: {  	_ =	swait.ge [sflag:s11], $0x2710  }
0x2cc: {  	[sflag:s11] =	ssyncset.done $0x0  }
0x2cd: {  	[sflag:s11] =	ssyncadd.s32 $0xFFFFD8F0  }
0x2ce: {  	_ =	sfence.sel $0x180000  }
0x2cf: {  	[bflag:$0x0] =	sbarrier.arrive $0xFFFF  }
0x2d0: {  	_ =	strace $0x90000047  }
0x2d1: {  	s0 =	stileid.u32;
	[bflag:$0x2] =	sbarrier.arrive $0xFFFF  }
0x2d2: {  	p0 =	sne.s32 s0, $0x0;
	s0 =	rddreg [dreg:$0x1]  }
0x2d3: {  	s0 =	sadd.s32 @!p0 $0x100000, s0  }
0x2d4: {  	[sflag:s0] =	ssyncadd.tile.s32 @!p0 $0x1;
	_ =	shalt  }
.Lfunc_end2:
_tile_overlayer_lowered:
.L_overlay_start_2:
0x2d5: {  	(tag) =	ssettag $0x2  }
0x2d6: {  	s0 =	rddreg [dreg:$0x0];
	s2 =	stileid.u32  }
0x2d7: {  	s1 =	rddreg [dreg:$0x1];
	p0 =	sne.s32 s2, $0x0  }
0x2d8: {  	s3 =	rddreg [dreg:$0x2];
	[bflag:$0x3] =	sbarrier.arrive $0xFFFF;
	s2 =	simm.s32 @!p0 $0x1C03  }
0x2d9: {  	[timem:s3], [sflag:s2] =	dma.local @!p0 [hbm:s0], s1  }
0x2da: {  	s0 =	simm.s32 @!p0 $0x3  }
0x2db: {  	_ =	swait.ge @!p0 [sflag:s0], s1  }
0x2dc: {  	s1 =	ssub.s32 @!p0 $0x0, s1;
	[sflag:s0] =	ssyncset.done @!p0 $0x0  }
0x2dd: {  	[sflag:s0] =	ssyncadd.s32 @!p0 s1  }
0x2de: {  	[bflag:$0x3] =	sbarrier.arrive $0xFFFF  }
0x2df: {  	_ =	shalt  }

</sc_bundles>
